<compile_context>
chip_gen: v7x
topology: tpu7x:2x2x1
jax: 0.10.2.dev20260603
libtpu: 0.0.44.dev20260713+nightly
codegen_flags: <defaults>
</compile_context>

<pallas_src>
import functools

import jax
import jax.numpy as jnp
from jax import lax
from jax.experimental import pallas as pl
from jax.experimental.pallas import tpu as pltpu
from jax.experimental.pallas import tpu_sc as plsc

E = 16
D = 2048
F = 1024
M = 32
K = 2
NPAIR = M * K
L = 16

TF = 512
T1 = F // TF


def _routing_body(ids_hbm, wts_hbm, out_hbm, ids_v, wts_v, tab_v, sem):
    c = lax.axis_index("c")
    s = lax.axis_index("s")

    @pl.when((c == 0) & (s == 0))
    def _():
        pltpu.sync_copy(ids_hbm, ids_v)
        pltpu.sync_copy(wts_hbm, wts_v)
        for e in range(E):
            for half in range(M // L):
                acc = jnp.zeros((L,), jnp.float32)
                for k in range(K):
                    idsv = ids_v[pl.ds(k * M + half * L, L)]
                    wtsv = wts_v[pl.ds(k * M + half * L, L)]
                    acc = acc + jnp.where(idsv == e, wtsv,
                                          jnp.zeros((L,), jnp.float32))
                tab_v[pl.ds((e * (M // L) + half) * L, L)] = acc
        pltpu.sync_copy(tab_v, out_hbm)


def _routing_table(topk_ids, topk_weights):
    ids_km = topk_ids.T.reshape(NPAIR).astype(jnp.int32)
    wts_km = topk_weights.T.reshape(NPAIR)
    mesh = plsc.VectorSubcoreMesh(core_axis_name="c", subcore_axis_name="s")
    fn = functools.partial(
        pl.kernel,
        mesh=mesh,
        out_type=jax.ShapeDtypeStruct((E * M,), jnp.float32),
        scratch_types=[
            pltpu.VMEM((NPAIR,), jnp.int32),
            pltpu.VMEM((NPAIR,), jnp.float32),
            pltpu.VMEM((E * M,), jnp.float32),
            pltpu.SemaphoreType.DMA,
        ],
    )(_routing_body)
    return fn(ids_km, wts_km).reshape(E, 1, M)


def _moe_body(wtab_ref, x_ref, gu_ref, dn_ref, out_ref):
    e = pl.program_id(0)
    t = pl.program_id(1)

    g = gu_ref[0, 0]
    u = gu_ref[0, 1]
    xt = x_ref[...]
    hg = jax.lax.dot_general(g, xt, (((1,), (0,)), ((), ())),
                             preferred_element_type=jnp.float32)
    hu = jax.lax.dot_general(u, xt, (((1,), (0,)), ((), ())),
                             preferred_element_type=jnp.float32)
    act = hg / (1.0 + jnp.exp(-hg)) * hu
    dn = dn_ref[0]
    ot = jax.lax.dot_general(dn, act, (((1,), (0,)), ((), ())),
                             preferred_element_type=jnp.float32)
    contrib = ot * wtab_ref[0]

    @pl.when((e == 0) & (t == 0))
    def _():
        out_ref[...] = contrib

    @pl.when((e > 0) | (t > 0))
    def _():
        out_ref[...] = out_ref[...] + contrib


def kernel(x, topk_weights, topk_ids, gate_up_proj, down_proj):
    wtab = _routing_table(topk_ids, topk_weights)
    xt = x.T
    gu = gate_up_proj.reshape(E, 2, F, D)

    grid = (E, T1)
    out_t = pl.pallas_call(
        _moe_body,
        grid=grid,
        in_specs=[
            pl.BlockSpec((1, 1, M), lambda e, t: (e, 0, 0)),
            pl.BlockSpec((D, M), lambda e, t: (0, 0)),
            pl.BlockSpec((1, 2, TF, D), lambda e, t: (e, 0, t, 0)),
            pl.BlockSpec((1, D, TF), lambda e, t: (e, 0, t)),
        ],
        out_specs=pl.BlockSpec((D, M), lambda e, t: (0, 0)),
        out_shape=jax.ShapeDtypeStruct((D, M), jnp.float32),
        compiler_params=pltpu.CompilerParams(
            dimension_semantics=("arbitrary", "arbitrary"),
        ),
    )(wtab, xt, gu, down_proj)
    return out_t.T

# --- scband reference (transcript-rebuilt; emitter-appended) ---
"""Pipeline reference for scband-unquantized-mo-elayer-67826123538954 (READ-ONLY COPY).

The authoritative reference and input builder live on the scoring server;
editing this copy changes nothing except your own understanding.
"""

import jax, jax.numpy as jnp
import numpy as np

E = 16
D = 2048
F = 1024
M = 32
K = 2


def setup_inputs(seed: int = 0) -> dict:
    key = jax.random.key(seed)
    k1, k2, k3, k4, k5 = jax.random.split(key, 5)
    x = jax.random.normal(k1, (M, D), dtype=jnp.float32)
    topk_weights = jax.random.uniform(k2, (M, K), dtype=jnp.float32)
    topk_ids = jax.random.randint(k3, (M, K), 0, E)
    # Learned parameters: fused gate/up projection [E, 2*F, D] and down projection [E, D, F]
    gate_up_proj = jax.random.normal(k4, (E, 2 * F, D), dtype=jnp.float32) * 0.02
    down_proj = jax.random.normal(k5, (E, D, F), dtype=jnp.float32) * 0.02
    return {
        "x": x,
        "topk_weights": topk_weights,
        "topk_ids": topk_ids,
        "gate_up_proj": gate_up_proj,
        "down_proj": down_proj,
    }


def reference(x, topk_weights, topk_ids, gate_up_proj, down_proj):
    # Faithful translation of fused_experts:
    #   cache1 = x @ w1[e].T  (w1 = gate_up fused, shape [E, 2F, D])
    #   cache2 = silu(cache1[:, :F]) * cache1[:, F:]   (silu_and_mul)
    #   cache3 = (cache2 @ w2[e].T) * topk_weight      (routed weight applied on second GEMM)
    #   out = sum over top_k slots
    Fdim = down_proj.shape[2]
    Enum = gate_up_proj.shape[0]
    out = jnp.zeros_like(x)
    for e in range(Enum):
        h = x @ gate_up_proj[e].T            # [M, 2F]
        act = jax.nn.silu(h[:, :Fdim]) * h[:, Fdim:]  # [M, F]
        o = act @ down_proj[e].T             # [M, D]
        # per-token routing weight for expert e (0 if token not routed here)
        w_e = jnp.sum(jnp.where(topk_ids == e, topk_weights, 0.0), axis=1)  # [M]
        out = out + w_e[:, None] * o
    return out

if __name__ == "__main__":
    import jax
    _d = setup_inputs()
    print(jax.jit(kernel)(*tuple(_d.values())))

</pallas_src>

<mosaic_0001>
#map = affine_map<(d0, d1) -> (0)>
module attributes {stable_mosaic.version = 14 : i64} {
  func.func @_routing_body(%arg0: i32, %arg1: i32, %arg2: memref<64xi32, #tpu.memory_space<hbm>>, %arg3: memref<64xf32, #tpu.memory_space<hbm>>, %arg4: memref<512xf32, #tpu.memory_space<hbm>>, %arg5: memref<64xi32, #tpu.memory_space<vmem>>, %arg6: memref<64xf32, #tpu.memory_space<vmem>>, %arg7: memref<512xf32, #tpu.memory_space<vmem>>, %arg8: memref<!tpu.dma_semaphore, #tpu.memory_space<semaphore_mem>>) attributes {dimension_semantics = [#tpu.dimension_semantics<core_parallel>, #tpu.dimension_semantics<subcore_parallel>], iteration_bounds = array<i64: 2, 16>, scalar_prefetch = 0 : i64, scratch_operands = 4 : i64, tpu.core_type = #tpu.core_type<sc_vector_subcore>, window_params = [{transform_indices = #map}, {transform_indices = #map}, {transform_indices = #map}]} {
    %eq3A = arith.constant 0 : i32
    %eq3A_0 = arith.cmpi eq, %arg0, %eq3A : i32
    %eq3A_1 = arith.constant 0 : i32
    %eq3A_2 = arith.cmpi eq, %arg1, %eq3A_1 : i32
    %and3A = arith.andi %eq3A_0, %eq3A_2 : i1
    %convert_element_type3A = arith.extui %and3A : i1 to i32
    %cond3A = arith.constant 0 : i32
    %cond3A_3 = arith.cmpi ne, %convert_element_type3A, %cond3A : i32
    scf.if %cond3A_3 {
      "tpu.region"() ({
        %run_scoped3A = tpu.sem_alloc : memref<!tpu.dma_semaphore, #tpu.memory_space<semaphore_mem>>
        tpu.enqueue_dma source(%arg2 : memref<64xi32, #tpu.memory_space<hbm>>) target(%arg5 : memref<64xi32, #tpu.memory_space<vmem>>) target_semaphore(%run_scoped3A : memref<!tpu.dma_semaphore, #tpu.memory_space<semaphore_mem>>)
        tpu.wait_dma2 semaphore(%run_scoped3A : memref<!tpu.dma_semaphore, #tpu.memory_space<semaphore_mem>>) src(%arg2 : memref<64xi32, #tpu.memory_space<hbm>>) dst(%arg5 : memref<64xi32, #tpu.memory_space<vmem>>)
        tpu.yield
      }) : () -> ()
      "tpu.region"() ({
        %run_scoped3A = tpu.sem_alloc : memref<!tpu.dma_semaphore, #tpu.memory_space<semaphore_mem>>
        tpu.enqueue_dma source(%arg3 : memref<64xf32, #tpu.memory_space<hbm>>) target(%arg6 : memref<64xf32, #tpu.memory_space<vmem>>) target_semaphore(%run_scoped3A : memref<!tpu.dma_semaphore, #tpu.memory_space<semaphore_mem>>)
        tpu.wait_dma2 semaphore(%run_scoped3A : memref<!tpu.dma_semaphore, #tpu.memory_space<semaphore_mem>>) src(%arg3 : memref<64xf32, #tpu.memory_space<hbm>>) dst(%arg6 : memref<64xf32, #tpu.memory_space<vmem>>)
        tpu.yield
      }) : () -> ()
      %broadcast_in_dim3A = arith.constant 0.000000e+00 : f32
      %broadcast_in_dim3A_4 = vector.broadcast %broadcast_in_dim3A : f32 to vector<16xf32>
      %get3A = arith.constant 0 : index
      %get3A_5 = tpu.vector_load %arg5[%get3A] {strides = array<i32>} : memref<64xi32, #tpu.memory_space<vmem>>, vector<16xi32>,
      %get3A_6 = vector.shape_cast %get3A_5 : vector<16xi32> to vector<16xi32>
      %get3A_7 = arith.constant 0 : index
      %get3A_8 = tpu.vector_load %arg6[%get3A_7] {strides = array<i32>} : memref<64xf32, #tpu.memory_space<vmem>>, vector<16xf32>,
      %get3A_9 = vector.shape_cast %get3A_8 : vector<16xf32> to vector<16xf32>
      %eq3A_10 = arith.constant 0 : i32
      %eq3A_11 = vector.broadcast %eq3A_10 : i32 to vector<16xi32>
      %eq3A_12 = arith.cmpi eq, %get3A_6, %eq3A_11 : vector<16xi32>
      %broadcast_in_dim3A_13 = arith.constant 0.000000e+00 : f32
      %broadcast_in_dim3A_14 = vector.broadcast %broadcast_in_dim3A_13 : f32 to vector<16xf32>
      %select_n3A = arith.select %eq3A_12, %get3A_9, %broadcast_in_dim3A_14 : vector<16xi1>, vector<16xf32>
      %add3A = arith.addf %broadcast_in_dim3A_4, %select_n3A : vector<16xf32>
      %get3A_15 = arith.constant 32 : index
      %get3A_16 = tpu.vector_load %arg5[%get3A_15] {strides = array<i32>} : memref<64xi32, #tpu.memory_space<vmem>>, vector<16xi32>,
      %get3A_17 = vector.shape_cast %get3A_16 : vector<16xi32> to vector<16xi32>
      %get3A_18 = arith.constant 32 : index
      %get3A_19 = tpu.vector_load %arg6[%get3A_18] {strides = array<i32>} : memref<64xf32, #tpu.memory_space<vmem>>, vector<16xf32>,
      %get3A_20 = vector.shape_cast %get3A_19 : vector<16xf32> to vector<16xf32>
      %eq3A_21 = arith.constant 0 : i32
      %eq3A_22 = vector.broadcast %eq3A_21 : i32 to vector<16xi32>
      %eq3A_23 = arith.cmpi eq, %get3A_17, %eq3A_22 : vector<16xi32>
      %broadcast_in_dim3A_24 = arith.constant 0.000000e+00 : f32
      %broadcast_in_dim3A_25 = vector.broadcast %broadcast_in_dim3A_24 : f32 to vector<16xf32>
      %select_n3A_26 = arith.select %eq3A_23, %get3A_20, %broadcast_in_dim3A_25 : vector<16xi1>, vector<16xf32>
      %add3A_27 = arith.addf %add3A, %select_n3A_26 : vector<16xf32>
      %swap3A = arith.constant 0 : index
      %swap3A_28 = tpu.vector_load %arg7[%swap3A] {strides = array<i32>} : memref<512xf32, #tpu.memory_space<vmem>>, vector<16xf32>,
      %swap3A_29 = vector.shape_cast %swap3A_28 : vector<16xf32> to vector<16xf32>
      %swap3A_30 = vector.shape_cast %add3A_27 : vector<16xf32> to vector<16xf32>
      tpu.vector_store %arg7[%swap3A], %swap3A_30 {strides = array<i32>} : memref<512xf32, #tpu.memory_space<vmem>>, vector<16xf32>,
      %broadcast_in_dim3A_31 = arith.constant 0.000000e+00 : f32
      %broadcast_in_dim3A_32 = vector.broadcast %broadcast_in_dim3A_31 : f32 to vector<16xf32>
      %get3A_33 = arith.constant 16 : index
      %get3A_34 = tpu.vector_load %arg5[%get3A_33] {strides = array<i32>} : memref<64xi32, #tpu.memory_space<vmem>>, vector<16xi32>,
      %get3A_35 = vector.shape_cast %get3A_34 : vector<16xi32> to vector<16xi32>
      %get3A_36 = arith.constant 16 : index
      %get3A_37 = tpu.vector_load %arg6[%get3A_36] {strides = array<i32>} : memref<64xf32, #tpu.memory_space<vmem>>, vector<16xf32>,
      %get3A_38 = vector.shape_cast %get3A_37 : vector<16xf32> to vector<16xf32>
      %eq3A_39 = arith.constant 0 : i32
      %eq3A_40 = vector.broadcast %eq3A_39 : i32 to vector<16xi32>
      %eq3A_41 = arith.cmpi eq, %get3A_35, %eq3A_40 : vector<16xi32>
      %broadcast_in_dim3A_42 = arith.constant 0.000000e+00 : f32
      %broadcast_in_dim3A_43 = vector.broadcast %broadcast_in_dim3A_42 : f32 to vector<16xf32>
      %select_n3A_44 = arith.select %eq3A_41, %get3A_38, %broadcast_in_dim3A_43 : vector<16xi1>, vector<16xf32>
      %add3A_45 = arith.addf %broadcast_in_dim3A_32, %select_n3A_44 : vector<16xf32>
      %get3A_46 = arith.constant 48 : index
      %get3A_47 = tpu.vector_load %arg5[%get3A_46] {strides = array<i32>} : memref<64xi32, #tpu.memory_space<vmem>>, vector<16xi32>,
      %get3A_48 = vector.shape_cast %get3A_47 : vector<16xi32> to vector<16xi32>
      %get3A_49 = arith.constant 48 : index
      %get3A_50 = tpu.vector_load %arg6[%get3A_49] {strides = array<i32>} : memref<64xf32, #tpu.memory_space<vmem>>, vector<16xf32>,
      %get3A_51 = vector.shape_cast %get3A_50 : vector<16xf32> to vector<16xf32>
      %eq3A_52 = arith.constant 0 : i32
      %eq3A_53 = vector.broadcast %eq3A_52 : i32 to vector<16xi32>
      %eq3A_54 = arith.cmpi eq, %get3A_48, %eq3A_53 : vector<16xi32>
      %broadcast_in_dim3A_55 = arith.constant 0.000000e+00 : f32
      %broadcast_in_dim3A_56 = vector.broadcast %broadcast_in_dim3A_55 : f32 to vector<16xf32>
      %select_n3A_57 = arith.select %eq3A_54, %get3A_51, %broadcast_in_dim3A_56 : vector<16xi1>, vector<16xf32>
      %add3A_58 = arith.addf %add3A_45, %select_n3A_57 : vector<16xf32>
      %swap3A_59 = arith.constant 16 : index
      %swap3A_60 = tpu.vector_load %arg7[%swap3A_59] {strides = array<i32>} : memref<512xf32, #tpu.memory_space<vmem>>, vector<16xf32>,
      %swap3A_61 = vector.shape_cast %swap3A_60 : vector<16xf32> to vector<16xf32>
      %swap3A_62 = vector.shape_cast %add3A_58 : vector<16xf32> to vector<16xf32>
      tpu.vector_store %arg7[%swap3A_59], %swap3A_62 {strides = array<i32>} : memref<512xf32, #tpu.memory_space<vmem>>, vector<16xf32>,
      %broadcast_in_dim3A_63 = arith.constant 0.000000e+00 : f32
      %broadcast_in_dim3A_64 = vector.broadcast %broadcast_in_dim3A_63 : f32 to vector<16xf32>
      %get3A_65 = arith.constant 0 : index
      %get3A_66 = tpu.vector_load %arg5[%get3A_65] {strides = array<i32>} : memref<64xi32, #tpu.memory_space<vmem>>, vector<16xi32>,
      %get3A_67 = vector.shape_cast %get3A_66 : vector<16xi32> to vector<16xi32>
      %get3A_68 = arith.constant 0 : index
      %get3A_69 = tpu.vector_load %arg6[%get3A_68] {strides = array<i32>} : memref<64xf32, #tpu.memory_space<vmem>>, vector<16xf32>,
      %get3A_70 = vector.shape_cast %get3A_69 : vector<16xf32> to vector<16xf32>
      %eq3A_71 = arith.constant 1 : i32
      %eq3A_72 = vector.broadcast %eq3A_71 : i32 to vector<16xi32>
      %eq3A_73 = arith.cmpi eq, %get3A_67, %eq3A_72 : vector<16xi32>
      %broadcast_in_dim3A_74 = arith.constant 0.000000e+00 : f32
      %broadcast_in_dim3A_75 = vector.broadcast %broadcast_in_dim3A_74 : f32 to vector<16xf32>
      %select_n3A_76 = arith.select %eq3A_73, %get3A_70, %broadcast_in_dim3A_75 : vector<16xi1>, vector<16xf32>
      %add3A_77 = arith.addf %broadcast_in_dim3A_64, %select_n3A_76 : vector<16xf32>
      %get3A_78 = arith.constant 32 : index
      %get3A_79 = tpu.vector_load %arg5[%get3A_78] {strides = array<i32>} : memref<64xi32, #tpu.memory_space<vmem>>, vector<16xi32>,
      %get3A_80 = vector.shape_cast %get3A_79 : vector<16xi32> to vector<16xi32>
      %get3A_81 = arith.constant 32 : index
      %get3A_82 = tpu.vector_load %arg6[%get3A_81] {strides = array<i32>} : memref<64xf32, #tpu.memory_space<vmem>>, vector<16xf32>,
      %get3A_83 = vector.shape_cast %get3A_82 : vector<16xf32> to vector<16xf32>
      %eq3A_84 = arith.constant 1 : i32
      %eq3A_85 = vector.broadcast %eq3A_84 : i32 to vector<16xi32>
      %eq3A_86 = arith.cmpi eq, %get3A_80, %eq3A_85 : vector<16xi32>
      %broadcast_in_dim3A_87 = arith.constant 0.000000e+00 : f32
      %broadcast_in_dim3A_88 = vector.broadcast %broadcast_in_dim3A_87 : f32 to vector<16xf32>
      %select_n3A_89 = arith.select %eq3A_86, %get3A_83, %broadcast_in_dim3A_88 : vector<16xi1>, vector<16xf32>
      %add3A_90 = arith.addf %add3A_77, %select_n3A_89 : vector<16xf32>
      %swap3A_91 = arith.constant 32 : index
      %swap3A_92 = tpu.vector_load %arg7[%swap3A_91] {strides = array<i32>} : memref<512xf32, #tpu.memory_space<vmem>>, vector<16xf32>,
      %swap3A_93 = vector.shape_cast %swap3A_92 : vector<16xf32> to vector<16xf32>
      %swap3A_94 = vector.shape_cast %add3A_90 : vector<16xf32> to vector<16xf32>
      tpu.vector_store %arg7[%swap3A_91], %swap3A_94 {strides = array<i32>} : memref<512xf32, #tpu.memory_space<vmem>>, vector<16xf32>,
      %broadcast_in_dim3A_95 = arith.constant 0.000000e+00 : f32
      %broadcast_in_dim3A_96 = vector.broadcast %broadcast_in_dim3A_95 : f32 to vector<16xf32>
      %get3A_97 = arith.constant 16 : index
      %get3A_98 = tpu.vector_load %arg5[%get3A_97] {strides = array<i32>} : memref<64xi32, #tpu.memory_space<vmem>>, vector<16xi32>,
      %get3A_99 = vector.shape_cast %get3A_98 : vector<16xi32> to vector<16xi32>
      %get3A_100 = arith.constant 16 : index
      %get3A_101 = tpu.vector_load %arg6[%get3A_100] {strides = array<i32>} : memref<64xf32, #tpu.memory_space<vmem>>, vector<16xf32>,
      %get3A_102 = vector.shape_cast %get3A_101 : vector<16xf32> to vector<16xf32>
      %eq3A_103 = arith.constant 1 : i32
      %eq3A_104 = vector.broadcast %eq3A_103 : i32 to vector<16xi32>
      %eq3A_105 = arith.cmpi eq, %get3A_99, %eq3A_104 : vector<16xi32>
      %broadcast_in_dim3A_106 = arith.constant 0.000000e+00 : f32
      %broadcast_in_dim3A_107 = vector.broadcast %broadcast_in_dim3A_106 : f32 to vector<16xf32>
      %select_n3A_108 = arith.select %eq3A_105, %get3A_102, %broadcast_in_dim3A_107 : vector<16xi1>, vector<16xf32>
      %add3A_109 = arith.addf %broadcast_in_dim3A_96, %select_n3A_108 : vector<16xf32>
      %get3A_110 = arith.constant 48 : index
      %get3A_111 = tpu.vector_load %arg5[%get3A_110] {strides = array<i32>} : memref<64xi32, #tpu.memory_space<vmem>>, vector<16xi32>,
      %get3A_112 = vector.shape_cast %get3A_111 : vector<16xi32> to vector<16xi32>
      %get3A_113 = arith.constant 48 : index
      %get3A_114 = tpu.vector_load %arg6[%get3A_113] {strides = array<i32>} : memref<64xf32, #tpu.memory_space<vmem>>, vector<16xf32>,
      %get3A_115 = vector.shape_cast %get3A_114 : vector<16xf32> to vector<16xf32>
      %eq3A_116 = arith.constant 1 : i32
      %eq3A_117 = vector.broadcast %eq3A_116 : i32 to vector<16xi32>
      %eq3A_118 = arith.cmpi eq, %get3A_112, %eq3A_117 : vector<16xi32>
      %broadcast_in_dim3A_119 = arith.constant 0.000000e+00 : f32
      %broadcast_in_dim3A_120 = vector.broadcast %broadcast_in_dim3A_119 : f32 to vector<16xf32>
      %select_n3A_121 = arith.select %eq3A_118, %get3A_115, %broadcast_in_dim3A_120 : vector<16xi1>, vector<16xf32>
      %add3A_122 = arith.addf %add3A_109, %select_n3A_121 : vector<16xf32>
      %swap3A_123 = arith.constant 48 : index
      %swap3A_124 = tpu.vector_load %arg7[%swap3A_123] {strides = array<i32>} : memref<512xf32, #tpu.memory_space<vmem>>, vector<16xf32>,
      %swap3A_125 = vector.shape_cast %swap3A_124 : vector<16xf32> to vector<16xf32>
      %swap3A_126 = vector.shape_cast %add3A_122 : vector<16xf32> to vector<16xf32>
      tpu.vector_store %arg7[%swap3A_123], %swap3A_126 {strides = array<i32>} : memref<512xf32, #tpu.memory_space<vmem>>, vector<16xf32>,
      %broadcast_in_dim3A_127 = arith.constant 0.000000e+00 : f32
      %broadcast_in_dim3A_128 = vector.broadcast %broadcast_in_dim3A_127 : f32 to vector<16xf32>
      %get3A_129 = arith.constant 0 : index
      %get3A_130 = tpu.vector_load %arg5[%get3A_129] {strides = array<i32>} : memref<64xi32, #tpu.memory_space<vmem>>, vector<16xi32>,
      %get3A_131 = vector.shape_cast %get3A_130 : vector<16xi32> to vector<16xi32>
      %get3A_132 = arith.constant 0 : index
      %get3A_133 = tpu.vector_load %arg6[%get3A_132] {strides = array<i32>} : memref<64xf32, #tpu.memory_space<vmem>>, vector<16xf32>,
      %get3A_134 = vector.shape_cast %get3A_133 : vector<16xf32> to vector<16xf32>
      %eq3A_135 = arith.constant 2 : i32
      %eq3A_136 = vector.broadcast %eq3A_135 : i32 to vector<16xi32>
      %eq3A_137 = arith.cmpi eq, %get3A_131, %eq3A_136 : vector<16xi32>
      %broadcast_in_dim3A_138 = arith.constant 0.000000e+00 : f32
      %broadcast_in_dim3A_139 = vector.broadcast %broadcast_in_dim3A_138 : f32 to vector<16xf32>
      %select_n3A_140 = arith.select %eq3A_137, %get3A_134, %broadcast_in_dim3A_139 : vector<16xi1>, vector<16xf32>
      %add3A_141 = arith.addf %broadcast_in_dim3A_128, %select_n3A_140 : vector<16xf32>
      %get3A_142 = arith.constant 32 : index
      %get3A_143 = tpu.vector_load %arg5[%get3A_142] {strides = array<i32>} : memref<64xi32, #tpu.memory_space<vmem>>, vector<16xi32>,
      %get3A_144 = vector.shape_cast %get3A_143 : vector<16xi32> to vector<16xi32>
      %get3A_145 = arith.constant 32 : index
      %get3A_146 = tpu.vector_load %arg6[%get3A_145] {strides = array<i32>} : memref<64xf32, #tpu.memory_space<vmem>>, vector<16xf32>,
      %get3A_147 = vector.shape_cast %get3A_146 : vector<16xf32> to vector<16xf32>
      %eq3A_148 = arith.constant 2 : i32
      %eq3A_149 = vector.broadcast %eq3A_148 : i32 to vector<16xi32>
      %eq3A_150 = arith.cmpi eq, %get3A_144, %eq3A_149 : vector<16xi32>
      %broadcast_in_dim3A_151 = arith.constant 0.000000e+00 : f32
      %broadcast_in_dim3A_152 = vector.broadcast %broadcast_in_dim3A_151 : f32 to vector<16xf32>
      %select_n3A_153 = arith.select %eq3A_150, %get3A_147, %broadcast_in_dim3A_152 : vector<16xi1>, vector<16xf32>
      %add3A_154 = arith.addf %add3A_141, %select_n3A_153 : vector<16xf32>
      %swap3A_155 = arith.constant 64 : index
      %swap3A_156 = tpu.vector_load %arg7[%swap3A_155] {strides = array<i32>} : memref<512xf32, #tpu.memory_space<vmem>>, vector<16xf32>,
      %swap3A_157 = vector.shape_cast %swap3A_156 : vector<16xf32> to vector<16xf32>
      %swap3A_158 = vector.shape_cast %add3A_154 : vector<16xf32> to vector<16xf32>
      tpu.vector_store %arg7[%swap3A_155], %swap3A_158 {strides = array<i32>} : memref<512xf32, #tpu.memory_space<vmem>>, vector<16xf32>,
      %broadcast_in_dim3A_159 = arith.constant 0.000000e+00 : f32
      %broadcast_in_dim3A_160 = vector.broadcast %broadcast_in_dim3A_159 : f32 to vector<16xf32>
      %get3A_161 = arith.constant 16 : index
      %get3A_162 = tpu.vector_load %arg5[%get3A_161] {strides = array<i32>} : memref<64xi32, #tpu.memory_space<vmem>>, vector<16xi32>,
      %get3A_163 = vector.shape_cast %get3A_162 : vector<16xi32> to vector<16xi32>
      %get3A_164 = arith.constant 16 : index
      %get3A_165 = tpu.vector_load %arg6[%get3A_164] {strides = array<i32>} : memref<64xf32, #tpu.memory_space<vmem>>, vector<16xf32>,
      %get3A_166 = vector.shape_cast %get3A_165 : vector<16xf32> to vector<16xf32>
      %eq3A_167 = arith.constant 2 : i32
      %eq3A_168 = vector.broadcast %eq3A_167 : i32 to vector<16xi32>
      %eq3A_169 = arith.cmpi eq, %get3A_163, %eq3A_168 : vector<16xi32>
      %broadcast_in_dim3A_170 = arith.constant 0.000000e+00 : f32
      %broadcast_in_dim3A_171 = vector.broadcast %broadcast_in_dim3A_170 : f32 to vector<16xf32>
      %select_n3A_172 = arith.select %eq3A_169, %get3A_166, %broadcast_in_dim3A_171 : vector<16xi1>, vector<16xf32>
      %add3A_173 = arith.addf %broadcast_in_dim3A_160, %select_n3A_172 : vector<16xf32>
      %get3A_174 = arith.constant 48 : index
      %get3A_175 = tpu.vector_load %arg5[%get3A_174] {strides = array<i32>} : memref<64xi32, #tpu.memory_space<vmem>>, vector<16xi32>,
      %get3A_176 = vector.shape_cast %get3A_175 : vector<16xi32> to vector<16xi32>
      %get3A_177 = arith.constant 48 : index
      %get3A_178 = tpu.vector_load %arg6[%get3A_177] {strides = array<i32>} : memref<64xf32, #tpu.memory_space<vmem>>, vector<16xf32>,
      %get3A_179 = vector.shape_cast %get3A_178 : vector<16xf32> to vector<16xf32>
      %eq3A_180 = arith.constant 2 : i32
      %eq3A_181 = vector.broadcast %eq3A_180 : i32 to vector<16xi32>
      %eq3A_182 = arith.cmpi eq, %get3A_176, %eq3A_181 : vector<16xi32>
      %broadcast_in_dim3A_183 = arith.constant 0.000000e+00 : f32
      %broadcast_in_dim3A_184 = vector.broadcast %broadcast_in_dim3A_183 : f32 to vector<16xf32>
      %select_n3A_185 = arith.select %eq3A_182, %get3A_179, %broadcast_in_dim3A_184 : vector<16xi1>, vector<16xf32>
      %add3A_186 = arith.addf %add3A_173, %select_n3A_185 : vector<16xf32>
      %swap3A_187 = arith.constant 80 : index
      %swap3A_188 = tpu.vector_load %arg7[%swap3A_187] {strides = array<i32>} : memref<512xf32, #tpu.memory_space<vmem>>, vector<16xf32>,
      %swap3A_189 = vector.shape_cast %swap3A_188 : vector<16xf32> to vector<16xf32>
      %swap3A_190 = vector.shape_cast %add3A_186 : vector<16xf32> to vector<16xf32>
      tpu.vector_store %arg7[%swap3A_187], %swap3A_190 {strides = array<i32>} : memref<512xf32, #tpu.memory_space<vmem>>, vector<16xf32>,
      %broadcast_in_dim3A_191 = arith.constant 0.000000e+00 : f32
      %broadcast_in_dim3A_192 = vector.broadcast %broadcast_in_dim3A_191 : f32 to vector<16xf32>
      %get3A_193 = arith.constant 0 : index
      %get3A_194 = tpu.vector_load %arg5[%get3A_193] {strides = array<i32>} : memref<64xi32, #tpu.memory_space<vmem>>, vector<16xi32>,
      %get3A_195 = vector.shape_cast %get3A_194 : vector<16xi32> to vector<16xi32>
      %get3A_196 = arith.constant 0 : index
      %get3A_197 = tpu.vector_load %arg6[%get3A_196] {strides = array<i32>} : memref<64xf32, #tpu.memory_space<vmem>>, vector<16xf32>,
      %get3A_198 = vector.shape_cast %get3A_197 : vector<16xf32> to vector<16xf32>
      %eq3A_199 = arith.constant 3 : i32
      %eq3A_200 = vector.broadcast %eq3A_199 : i32 to vector<16xi32>
      %eq3A_201 = arith.cmpi eq, %get3A_195, %eq3A_200 : vector<16xi32>
      %broadcast_in_dim3A_202 = arith.constant 0.000000e+00 : f32
      %broadcast_in_dim3A_203 = vector.broadcast %broadcast_in_dim3A_202 : f32 to vector<16xf32>
      %select_n3A_204 = arith.select %eq3A_201, %get3A_198, %broadcast_in_dim3A_203 : vector<16xi1>, vector<16xf32>
      %add3A_205 = arith.addf %broadcast_in_dim3A_192, %select_n3A_204 : vector<16xf32>
      %get3A_206 = arith.constant 32 : index
      %get3A_207 = tpu.vector_load %arg5[%get3A_206] {strides = array<i32>} : memref<64xi32, #tpu.memory_space<vmem>>, vector<16xi32>,
      %get3A_208 = vector.shape_cast %get3A_207 : vector<16xi32> to vector<16xi32>
      %get3A_209 = arith.constant 32 : index
      %get3A_210 = tpu.vector_load %arg6[%get3A_209] {strides = array<i32>} : memref<64xf32, #tpu.memory_space<vmem>>, vector<16xf32>,
      %get3A_211 = vector.shape_cast %get3A_210 : vector<16xf32> to vector<16xf32>
      %eq3A_212 = arith.constant 3 : i32
      %eq3A_213 = vector.broadcast %eq3A_212 : i32 to vector<16xi32>
      %eq3A_214 = arith.cmpi eq, %get3A_208, %eq3A_213 : vector<16xi32>
      %broadcast_in_dim3A_215 = arith.constant 0.000000e+00 : f32
      %broadcast_in_dim3A_216 = vector.broadcast %broadcast_in_dim3A_215 : f32 to vector<16xf32>
      %select_n3A_217 = arith.select %eq3A_214, %get3A_211, %broadcast_in_dim3A_216 : vector<16xi1>, vector<16xf32>
      %add3A_218 = arith.addf %add3A_205, %select_n3A_217 : vector<16xf32>
      %swap3A_219 = arith.constant 96 : index
      %swap3A_220 = tpu.vector_load %arg7[%swap3A_219] {strides = array<i32>} : memref<512xf32, #tpu.memory_space<vmem>>, vector<16xf32>,
      %swap3A_221 = vector.shape_cast %swap3A_220 : vector<16xf32> to vector<16xf32>
      %swap3A_222 = vector.shape_cast %add3A_218 : vector<16xf32> to vector<16xf32>
      tpu.vector_store %arg7[%swap3A_219], %swap3A_222 {strides = array<i32>} : memref<512xf32, #tpu.memory_space<vmem>>, vector<16xf32>,
      %broadcast_in_dim3A_223 = arith.constant 0.000000e+00 : f32
      %broadcast_in_dim3A_224 = vector.broadcast %broadcast_in_dim3A_223 : f32 to vector<16xf32>
      %get3A_225 = arith.constant 16 : index
      %get3A_226 = tpu.vector_load %arg5[%get3A_225] {strides = array<i32>} : memref<64xi32, #tpu.memory_space<vmem>>, vector<16xi32>,
      %get3A_227 = vector.shape_cast %get3A_226 : vector<16xi32> to vector<16xi32>
      %get3A_228 = arith.constant 16 : index
      %get3A_229 = tpu.vector_load %arg6[%get3A_228] {strides = array<i32>} : memref<64xf32, #tpu.memory_space<vmem>>, vector<16xf32>,
      %get3A_230 = vector.shape_cast %get3A_229 : vector<16xf32> to vector<16xf32>
      %eq3A_231 = arith.constant 3 : i32
      %eq3A_232 = vector.broadcast %eq3A_231 : i32 to vector<16xi32>
      %eq3A_233 = arith.cmpi eq, %get3A_227, %eq3A_232 : vector<16xi32>
      %broadcast_in_dim3A_234 = arith.constant 0.000000e+00 : f32
      %broadcast_in_dim3A_235 = vector.broadcast %broadcast_in_dim3A_234 : f32 to vector<16xf32>
      %select_n3A_236 = arith.select %eq3A_233, %get3A_230, %broadcast_in_dim3A_235 : vector<16xi1>, vector<16xf32>
      %add3A_237 = arith.addf %broadcast_in_dim3A_224, %select_n3A_236 : vector<16xf32>
      %get3A_238 = arith.constant 48 : index
      %get3A_239 = tpu.vector_load %arg5[%get3A_238] {strides = array<i32>} : memref<64xi32, #tpu.memory_space<vmem>>, vector<16xi32>,
      %get3A_240 = vector.shape_cast %get3A_239 : vector<16xi32> to vector<16xi32>
      %get3A_241 = arith.constant 48 : index
      %get3A_242 = tpu.vector_load %arg6[%get3A_241] {strides = array<i32>} : memref<64xf32, #tpu.memory_space<vmem>>, vector<16xf32>,
      %get3A_243 = vector.shape_cast %get3A_242 : vector<16xf32> to vector<16xf32>
      %eq3A_244 = arith.constant 3 : i32
      %eq3A_245 = vector.broadcast %eq3A_244 : i32 to vector<16xi32>
      %eq3A_246 = arith.cmpi eq, %get3A_240, %eq3A_245 : vector<16xi32>
      %broadcast_in_dim3A_247 = arith.constant 0.000000e+00 : f32
      %broadcast_in_dim3A_248 = vector.broadcast %broadcast_in_dim3A_247 : f32 to vector<16xf32>
      %select_n3A_249 = arith.select %eq3A_246, %get3A_243, %broadcast_in_dim3A_248 : vector<16xi1>, vector<16xf32>
      %add3A_250 = arith.addf %add3A_237, %select_n3A_249 : vector<16xf32>
      %swap3A_251 = arith.constant 112 : index
      %swap3A_252 = tpu.vector_load %arg7[%swap3A_251] {strides = array<i32>} : memref<512xf32, #tpu.memory_space<vmem>>, vector<16xf32>,
      %swap3A_253 = vector.shape_cast %swap3A_252 : vector<16xf32> to vector<16xf32>
      %swap3A_254 = vector.shape_cast %add3A_250 : vector<16xf32> to vector<16xf32>
      tpu.vector_store %arg7[%swap3A_251], %swap3A_254 {strides = array<i32>} : memref<512xf32, #tpu.memory_space<vmem>>, vector<16xf32>,
      %broadcast_in_dim3A_255 = arith.constant 0.000000e+00 : f32
      %broadcast_in_dim3A_256 = vector.broadcast %broadcast_in_dim3A_255 : f32 to vector<16xf32>
      %get3A_257 = arith.constant 0 : index
      %get3A_258 = tpu.vector_load %arg5[%get3A_257] {strides = array<i32>} : memref<64xi32, #tpu.memory_space<vmem>>, vector<16xi32>,
      %get3A_259 = vector.shape_cast %get3A_258 : vector<16xi32> to vector<16xi32>
      %get3A_260 = arith.constant 0 : index
      %get3A_261 = tpu.vector_load %arg6[%get3A_260] {strides = array<i32>} : memref<64xf32, #tpu.memory_space<vmem>>, vector<16xf32>,
      %get3A_262 = vector.shape_cast %get3A_261 : vector<16xf32> to vector<16xf32>
      %eq3A_263 = arith.constant 4 : i32
      %eq3A_264 = vector.broadcast %eq3A_263 : i32 to vector<16xi32>
      %eq3A_265 = arith.cmpi eq, %get3A_259, %eq3A_264 : vector<16xi32>
      %broadcast_in_dim3A_266 = arith.constant 0.000000e+00 : f32
      %broadcast_in_dim3A_267 = vector.broadcast %broadcast_in_dim3A_266 : f32 to vector<16xf32>
      %select_n3A_268 = arith.select %eq3A_265, %get3A_262, %broadcast_in_dim3A_267 : vector<16xi1>, vector<16xf32>
      %add3A_269 = arith.addf %broadcast_in_dim3A_256, %select_n3A_268 : vector<16xf32>
      %get3A_270 = arith.constant 32 : index
      %get3A_271 = tpu.vector_load %arg5[%get3A_270] {strides = array<i32>} : memref<64xi32, #tpu.memory_space<vmem>>, vector<16xi32>,
      %get3A_272 = vector.shape_cast %get3A_271 : vector<16xi32> to vector<16xi32>
      %get3A_273 = arith.constant 32 : index
      %get3A_274 = tpu.vector_load %arg6[%get3A_273] {strides = array<i32>} : memref<64xf32, #tpu.memory_space<vmem>>, vector<16xf32>,
      %get3A_275 = vector.shape_cast %get3A_274 : vector<16xf32> to vector<16xf32>
      %eq3A_276 = arith.constant 4 : i32
      %eq3A_277 = vector.broadcast %eq3A_276 : i32 to vector<16xi32>
      %eq3A_278 = arith.cmpi eq, %get3A_272, %eq3A_277 : vector<16xi32>
      %broadcast_in_dim3A_279 = arith.constant 0.000000e+00 : f32
      %broadcast_in_dim3A_280 = vector.broadcast %broadcast_in_dim3A_279 : f32 to vector<16xf32>
      %select_n3A_281 = arith.select %eq3A_278, %get3A_275, %broadcast_in_dim3A_280 : vector<16xi1>, vector<16xf32>
      %add3A_282 = arith.addf %add3A_269, %select_n3A_281 : vector<16xf32>
      %swap3A_283 = arith.constant 128 : index
      %swap3A_284 = tpu.vector_load %arg7[%swap3A_283] {strides = array<i32>} : memref<512xf32, #tpu.memory_space<vmem>>, vector<16xf32>,
      %swap3A_285 = vector.shape_cast %swap3A_284 : vector<16xf32> to vector<16xf32>
      %swap3A_286 = vector.shape_cast %add3A_282 : vector<16xf32> to vector<16xf32>
      tpu.vector_store %arg7[%swap3A_283], %swap3A_286 {strides = array<i32>} : memref<512xf32, #tpu.memory_space<vmem>>, vector<16xf32>,
      %broadcast_in_dim3A_287 = arith.constant 0.000000e+00 : f32
      %broadcast_in_dim3A_288 = vector.broadcast %broadcast_in_dim3A_287 : f32 to vector<16xf32>
      %get3A_289 = arith.constant 16 : index
      %get3A_290 = tpu.vector_load %arg5[%get3A_289] {strides = array<i32>} : memref<64xi32, #tpu.memory_space<vmem>>, vector<16xi32>,
      %get3A_291 = vector.shape_cast %get3A_290 : vector<16xi32> to vector<16xi32>
      %get3A_292 = arith.constant 16 : index
      %get3A_293 = tpu.vector_load %arg6[%get3A_292] {strides = array<i32>} : memref<64xf32, #tpu.memory_space<vmem>>, vector<16xf32>,
      %get3A_294 = vector.shape_cast %get3A_293 : vector<16xf32> to vector<16xf32>
      %eq3A_295 = arith.constant 4 : i32
      %eq3A_296 = vector.broadcast %eq3A_295 : i32 to vector<16xi32>
      %eq3A_297 = arith.cmpi eq, %get3A_291, %eq3A_296 : vector<16xi32>
      %broadcast_in_dim3A_298 = arith.constant 0.000000e+00 : f32
      %broadcast_in_dim3A_299 = vector.broadcast %broadcast_in_dim3A_298 : f32 to vector<16xf32>
      %select_n3A_300 = arith.select %eq3A_297, %get3A_294, %broadcast_in_dim3A_299 : vector<16xi1>, vector<16xf32>
      %add3A_301 = arith.addf %broadcast_in_dim3A_288, %select_n3A_300 : vector<16xf32>
      %get3A_302 = arith.constant 48 : index
      %get3A_303 = tpu.vector_load %arg5[%get3A_302] {strides = array<i32>} : memref<64xi32, #tpu.memory_space<vmem>>, vector<16xi32>,
      %get3A_304 = vector.shape_cast %get3A_303 : vector<16xi32> to vector<16xi32>
      %get3A_305 = arith.constant 48 : index
      %get3A_306 = tpu.vector_load %arg6[%get3A_305] {strides = array<i32>} : memref<64xf32, #tpu.memory_space<vmem>>, vector<16xf32>,
      %get3A_307 = vector.shape_cast %get3A_306 : vector<16xf32> to vector<16xf32>
      %eq3A_308 = arith.constant 4 : i32
      %eq3A_309 = vector.broadcast %eq3A_308 : i32 to vector<16xi32>
      %eq3A_310 = arith.cmpi eq, %get3A_304, %eq3A_309 : vector<16xi32>
      %broadcast_in_dim3A_311 = arith.constant 0.000000e+00 : f32
      %broadcast_in_dim3A_312 = vector.broadcast %broadcast_in_dim3A_311 : f32 to vector<16xf32>
      %select_n3A_313 = arith.select %eq3A_310, %get3A_307, %broadcast_in_dim3A_312 : vector<16xi1>, vector<16xf32>
      %add3A_314 = arith.addf %add3A_301, %select_n3A_313 : vector<16xf32>
      %swap3A_315 = arith.constant 144 : index
      %swap3A_316 = tpu.vector_load %arg7[%swap3A_315] {strides = array<i32>} : memref<512xf32, #tpu.memory_space<vmem>>, vector<16xf32>,
      %swap3A_317 = vector.shape_cast %swap3A_316 : vector<16xf32> to vector<16xf32>
      %swap3A_318 = vector.shape_cast %add3A_314 : vector<16xf32> to vector<16xf32>
      tpu.vector_store %arg7[%swap3A_315], %swap3A_318 {strides = array<i32>} : memref<512xf32, #tpu.memory_space<vmem>>, vector<16xf32>,
      %broadcast_in_dim3A_319 = arith.constant 0.000000e+00 : f32
      %broadcast_in_dim3A_320 = vector.broadcast %broadcast_in_dim3A_319 : f32 to vector<16xf32>
      %get3A_321 = arith.constant 0 : index
      %get3A_322 = tpu.vector_load %arg5[%get3A_321] {strides = array<i32>} : memref<64xi32, #tpu.memory_space<vmem>>, vector<16xi32>,
      %get3A_323 = vector.shape_cast %get3A_322 : vector<16xi32> to vector<16xi32>
      %get3A_324 = arith.constant 0 : index
      %get3A_325 = tpu.vector_load %arg6[%get3A_324] {strides = array<i32>} : memref<64xf32, #tpu.memory_space<vmem>>, vector<16xf32>,
      %get3A_326 = vector.shape_cast %get3A_325 : vector<16xf32> to vector<16xf32>
      %eq3A_327 = arith.constant 5 : i32
      %eq3A_328 = vector.broadcast %eq3A_327 : i32 to vector<16xi32>
      %eq3A_329 = arith.cmpi eq, %get3A_323, %eq3A_328 : vector<16xi32>
      %broadcast_in_dim3A_330 = arith.constant 0.000000e+00 : f32
      %broadcast_in_dim3A_331 = vector.broadcast %broadcast_in_dim3A_330 : f32 to vector<16xf32>
      %select_n3A_332 = arith.select %eq3A_329, %get3A_326, %broadcast_in_dim3A_331 : vector<16xi1>, vector<16xf32>
      %add3A_333 = arith.addf %broadcast_in_dim3A_320, %select_n3A_332 : vector<16xf32>
      %get3A_334 = arith.constant 32 : index
      %get3A_335 = tpu.vector_load %arg5[%get3A_334] {strides = array<i32>} : memref<64xi32, #tpu.memory_space<vmem>>, vector<16xi32>,
      %get3A_336 = vector.shape_cast %get3A_335 : vector<16xi32> to vector<16xi32>
      %get3A_337 = arith.constant 32 : index
      %get3A_338 = tpu.vector_load %arg6[%get3A_337] {strides = array<i32>} : memref<64xf32, #tpu.memory_space<vmem>>, vector<16xf32>,
      %get3A_339 = vector.shape_cast %get3A_338 : vector<16xf32> to vector<16xf32>
      %eq3A_340 = arith.constant 5 : i32
      %eq3A_341 = vector.broadcast %eq3A_340 : i32 to vector<16xi32>
      %eq3A_342 = arith.cmpi eq, %get3A_336, %eq3A_341 : vector<16xi32>
      %broadcast_in_dim3A_343 = arith.constant 0.000000e+00 : f32
      %broadcast_in_dim3A_344 = vector.broadcast %broadcast_in_dim3A_343 : f32 to vector<16xf32>
      %select_n3A_345 = arith.select %eq3A_342, %get3A_339, %broadcast_in_dim3A_344 : vector<16xi1>, vector<16xf32>
      %add3A_346 = arith.addf %add3A_333, %select_n3A_345 : vector<16xf32>
      %swap3A_347 = arith.constant 160 : index
      %swap3A_348 = tpu.vector_load %arg7[%swap3A_347] {strides = array<i32>} : memref<512xf32, #tpu.memory_space<vmem>>, vector<16xf32>,
      %swap3A_349 = vector.shape_cast %swap3A_348 : vector<16xf32> to vector<16xf32>
      %swap3A_350 = vector.shape_cast %add3A_346 : vector<16xf32> to vector<16xf32>
      tpu.vector_store %arg7[%swap3A_347], %swap3A_350 {strides = array<i32>} : memref<512xf32, #tpu.memory_space<vmem>>, vector<16xf32>,
      %broadcast_in_dim3A_351 = arith.constant 0.000000e+00 : f32
      %broadcast_in_dim3A_352 = vector.broadcast %broadcast_in_dim3A_351 : f32 to vector<16xf32>
      %get3A_353 = arith.constant 16 : index
      %get3A_354 = tpu.vector_load %arg5[%get3A_353] {strides = array<i32>} : memref<64xi32, #tpu.memory_space<vmem>>, vector<16xi32>,
      %get3A_355 = vector.shape_cast %get3A_354 : vector<16xi32> to vector<16xi32>
      %get3A_356 = arith.constant 16 : index
      %get3A_357 = tpu.vector_load %arg6[%get3A_356] {strides = array<i32>} : memref<64xf32, #tpu.memory_space<vmem>>, vector<16xf32>,
      %get3A_358 = vector.shape_cast %get3A_357 : vector<16xf32> to vector<16xf32>
      %eq3A_359 = arith.constant 5 : i32
      %eq3A_360 = vector.broadcast %eq3A_359 : i32 to vector<16xi32>
      %eq3A_361 = arith.cmpi eq, %get3A_355, %eq3A_360 : vector<16xi32>
      %broadcast_in_dim3A_362 = arith.constant 0.000000e+00 : f32
      %broadcast_in_dim3A_363 = vector.broadcast %broadcast_in_dim3A_362 : f32 to vector<16xf32>
      %select_n3A_364 = arith.select %eq3A_361, %get3A_358, %broadcast_in_dim3A_363 : vector<16xi1>, vector<16xf32>
      %add3A_365 = arith.addf %broadcast_in_dim3A_352, %select_n3A_364 : vector<16xf32>
      %get3A_366 = arith.constant 48 : index
      %get3A_367 = tpu.vector_load %arg5[%get3A_366] {strides = array<i32>} : memref<64xi32, #tpu.memory_space<vmem>>, vector<16xi32>,
      %get3A_368 = vector.shape_cast %get3A_367 : vector<16xi32> to vector<16xi32>
      %get3A_369 = arith.constant 48 : index
      %get3A_370 = tpu.vector_load %arg6[%get3A_369] {strides = array<i32>} : memref<64xf32, #tpu.memory_space<vmem>>, vector<16xf32>,
      %get3A_371 = vector.shape_cast %get3A_370 : vector<16xf32> to vector<16xf32>
      %eq3A_372 = arith.constant 5 : i32
      %eq3A_373 = vector.broadcast %eq3A_372 : i32 to vector<16xi32>
      %eq3A_374 = arith.cmpi eq, %get3A_368, %eq3A_373 : vector<16xi32>
      %broadcast_in_dim3A_375 = arith.constant 0.000000e+00 : f32
      %broadcast_in_dim3A_376 = vector.broadcast %broadcast_in_dim3A_375 : f32 to vector<16xf32>
      %select_n3A_377 = arith.select %eq3A_374, %get3A_371, %broadcast_in_dim3A_376 : vector<16xi1>, vector<16xf32>
      %add3A_378 = arith.addf %add3A_365, %select_n3A_377 : vector<16xf32>
      %swap3A_379 = arith.constant 176 : index
      %swap3A_380 = tpu.vector_load %arg7[%swap3A_379] {strides = array<i32>} : memref<512xf32, #tpu.memory_space<vmem>>, vector<16xf32>,
      %swap3A_381 = vector.shape_cast %swap3A_380 : vector<16xf32> to vector<16xf32>
      %swap3A_382 = vector.shape_cast %add3A_378 : vector<16xf32> to vector<16xf32>
      tpu.vector_store %arg7[%swap3A_379], %swap3A_382 {strides = array<i32>} : memref<512xf32, #tpu.memory_space<vmem>>, vector<16xf32>,
      %broadcast_in_dim3A_383 = arith.constant 0.000000e+00 : f32
      %broadcast_in_dim3A_384 = vector.broadcast %broadcast_in_dim3A_383 : f32 to vector<16xf32>
      %get3A_385 = arith.constant 0 : index
      %get3A_386 = tpu.vector_load %arg5[%get3A_385] {strides = array<i32>} : memref<64xi32, #tpu.memory_space<vmem>>, vector<16xi32>,
      %get3A_387 = vector.shape_cast %get3A_386 : vector<16xi32> to vector<16xi32>
      %get3A_388 = arith.constant 0 : index
      %get3A_389 = tpu.vector_load %arg6[%get3A_388] {strides = array<i32>} : memref<64xf32, #tpu.memory_space<vmem>>, vector<16xf32>,
      %get3A_390 = vector.shape_cast %get3A_389 : vector<16xf32> to vector<16xf32>
      %eq3A_391 = arith.constant 6 : i32
      %eq3A_392 = vector.broadcast %eq3A_391 : i32 to vector<16xi32>
      %eq3A_393 = arith.cmpi eq, %get3A_387, %eq3A_392 : vector<16xi32>
      %broadcast_in_dim3A_394 = arith.constant 0.000000e+00 : f32
      %broadcast_in_dim3A_395 = vector.broadcast %broadcast_in_dim3A_394 : f32 to vector<16xf32>
      %select_n3A_396 = arith.select %eq3A_393, %get3A_390, %broadcast_in_dim3A_395 : vector<16xi1>, vector<16xf32>
      %add3A_397 = arith.addf %broadcast_in_dim3A_384, %select_n3A_396 : vector<16xf32>
      %get3A_398 = arith.constant 32 : index
      %get3A_399 = tpu.vector_load %arg5[%get3A_398] {strides = array<i32>} : memref<64xi32, #tpu.memory_space<vmem>>, vector<16xi32>,
      %get3A_400 = vector.shape_cast %get3A_399 : vector<16xi32> to vector<16xi32>
      %get3A_401 = arith.constant 32 : index
      %get3A_402 = tpu.vector_load %arg6[%get3A_401] {strides = array<i32>} : memref<64xf32, #tpu.memory_space<vmem>>, vector<16xf32>,
      %get3A_403 = vector.shape_cast %get3A_402 : vector<16xf32> to vector<16xf32>
      %eq3A_404 = arith.constant 6 : i32
      %eq3A_405 = vector.broadcast %eq3A_404 : i32 to vector<16xi32>
      %eq3A_406 = arith.cmpi eq, %get3A_400, %eq3A_405 : vector<16xi32>
      %broadcast_in_dim3A_407 = arith.constant 0.000000e+00 : f32
      %broadcast_in_dim3A_408 = vector.broadcast %broadcast_in_dim3A_407 : f32 to vector<16xf32>
      %select_n3A_409 = arith.select %eq3A_406, %get3A_403, %broadcast_in_dim3A_408 : vector<16xi1>, vector<16xf32>
      %add3A_410 = arith.addf %add3A_397, %select_n3A_409 : vector<16xf32>
      %swap3A_411 = arith.constant 192 : index
      %swap3A_412 = tpu.vector_load %arg7[%swap3A_411] {strides = array<i32>} : memref<512xf32, #tpu.memory_space<vmem>>, vector<16xf32>,
      %swap3A_413 = vector.shape_cast %swap3A_412 : vector<16xf32> to vector<16xf32>
      %swap3A_414 = vector.shape_cast %add3A_410 : vector<16xf32> to vector<16xf32>
      tpu.vector_store %arg7[%swap3A_411], %swap3A_414 {strides = array<i32>} : memref<512xf32, #tpu.memory_space<vmem>>, vector<16xf32>,
      %broadcast_in_dim3A_415 = arith.constant 0.000000e+00 : f32
      %broadcast_in_dim3A_416 = vector.broadcast %broadcast_in_dim3A_415 : f32 to vector<16xf32>
      %get3A_417 = arith.constant 16 : index
      %get3A_418 = tpu.vector_load %arg5[%get3A_417] {strides = array<i32>} : memref<64xi32, #tpu.memory_space<vmem>>, vector<16xi32>,
      %get3A_419 = vector.shape_cast %get3A_418 : vector<16xi32> to vector<16xi32>
      %get3A_420 = arith.constant 16 : index
      %get3A_421 = tpu.vector_load %arg6[%get3A_420] {strides = array<i32>} : memref<64xf32, #tpu.memory_space<vmem>>, vector<16xf32>,
      %get3A_422 = vector.shape_cast %get3A_421 : vector<16xf32> to vector<16xf32>
      %eq3A_423 = arith.constant 6 : i32
      %eq3A_424 = vector.broadcast %eq3A_423 : i32 to vector<16xi32>
      %eq3A_425 = arith.cmpi eq, %get3A_419, %eq3A_424 : vector<16xi32>
      %broadcast_in_dim3A_426 = arith.constant 0.000000e+00 : f32
      %broadcast_in_dim3A_427 = vector.broadcast %broadcast_in_dim3A_426 : f32 to vector<16xf32>
      %select_n3A_428 = arith.select %eq3A_425, %get3A_422, %broadcast_in_dim3A_427 : vector<16xi1>, vector<16xf32>
      %add3A_429 = arith.addf %broadcast_in_dim3A_416, %select_n3A_428 : vector<16xf32>
      %get3A_430 = arith.constant 48 : index
      %get3A_431 = tpu.vector_load %arg5[%get3A_430] {strides = array<i32>} : memref<64xi32, #tpu.memory_space<vmem>>, vector<16xi32>,
      %get3A_432 = vector.shape_cast %get3A_431 : vector<16xi32> to vector<16xi32>
      %get3A_433 = arith.constant 48 : index
      %get3A_434 = tpu.vector_load %arg6[%get3A_433] {strides = array<i32>} : memref<64xf32, #tpu.memory_space<vmem>>, vector<16xf32>,
      %get3A_435 = vector.shape_cast %get3A_434 : vector<16xf32> to vector<16xf32>
      %eq3A_436 = arith.constant 6 : i32
      %eq3A_437 = vector.broadcast %eq3A_436 : i32 to vector<16xi32>
      %eq3A_438 = arith.cmpi eq, %get3A_432, %eq3A_437 : vector<16xi32>
      %broadcast_in_dim3A_439 = arith.constant 0.000000e+00 : f32
      %broadcast_in_dim3A_440 = vector.broadcast %broadcast_in_dim3A_439 : f32 to vector<16xf32>
      %select_n3A_441 = arith.select %eq3A_438, %get3A_435, %broadcast_in_dim3A_440 : vector<16xi1>, vector<16xf32>
      %add3A_442 = arith.addf %add3A_429, %select_n3A_441 : vector<16xf32>
      %swap3A_443 = arith.constant 208 : index
      %swap3A_444 = tpu.vector_load %arg7[%swap3A_443] {strides = array<i32>} : memref<512xf32, #tpu.memory_space<vmem>>, vector<16xf32>,
      %swap3A_445 = vector.shape_cast %swap3A_444 : vector<16xf32> to vector<16xf32>
      %swap3A_446 = vector.shape_cast %add3A_442 : vector<16xf32> to vector<16xf32>
      tpu.vector_store %arg7[%swap3A_443], %swap3A_446 {strides = array<i32>} : memref<512xf32, #tpu.memory_space<vmem>>, vector<16xf32>,
      %broadcast_in_dim3A_447 = arith.constant 0.000000e+00 : f32
      %broadcast_in_dim3A_448 = vector.broadcast %broadcast_in_dim3A_447 : f32 to vector<16xf32>
      %get3A_449 = arith.constant 0 : index
      %get3A_450 = tpu.vector_load %arg5[%get3A_449] {strides = array<i32>} : memref<64xi32, #tpu.memory_space<vmem>>, vector<16xi32>,
      %get3A_451 = vector.shape_cast %get3A_450 : vector<16xi32> to vector<16xi32>
      %get3A_452 = arith.constant 0 : index
      %get3A_453 = tpu.vector_load %arg6[%get3A_452] {strides = array<i32>} : memref<64xf32, #tpu.memory_space<vmem>>, vector<16xf32>,
      %get3A_454 = vector.shape_cast %get3A_453 : vector<16xf32> to vector<16xf32>
      %eq3A_455 = arith.constant 7 : i32
      %eq3A_456 = vector.broadcast %eq3A_455 : i32 to vector<16xi32>
      %eq3A_457 = arith.cmpi eq, %get3A_451, %eq3A_456 : vector<16xi32>
      %broadcast_in_dim3A_458 = arith.constant 0.000000e+00 : f32
      %broadcast_in_dim3A_459 = vector.broadcast %broadcast_in_dim3A_458 : f32 to vector<16xf32>
      %select_n3A_460 = arith.select %eq3A_457, %get3A_454, %broadcast_in_dim3A_459 : vector<16xi1>, vector<16xf32>
      %add3A_461 = arith.addf %broadcast_in_dim3A_448, %select_n3A_460 : vector<16xf32>
      %get3A_462 = arith.constant 32 : index
      %get3A_463 = tpu.vector_load %arg5[%get3A_462] {strides = array<i32>} : memref<64xi32, #tpu.memory_space<vmem>>, vector<16xi32>,
      %get3A_464 = vector.shape_cast %get3A_463 : vector<16xi32> to vector<16xi32>
      %get3A_465 = arith.constant 32 : index
      %get3A_466 = tpu.vector_load %arg6[%get3A_465] {strides = array<i32>} : memref<64xf32, #tpu.memory_space<vmem>>, vector<16xf32>,
      %get3A_467 = vector.shape_cast %get3A_466 : vector<16xf32> to vector<16xf32>
      %eq3A_468 = arith.constant 7 : i32
      %eq3A_469 = vector.broadcast %eq3A_468 : i32 to vector<16xi32>
      %eq3A_470 = arith.cmpi eq, %get3A_464, %eq3A_469 : vector<16xi32>
      %broadcast_in_dim3A_471 = arith.constant 0.000000e+00 : f32
      %broadcast_in_dim3A_472 = vector.broadcast %broadcast_in_dim3A_471 : f32 to vector<16xf32>
      %select_n3A_473 = arith.select %eq3A_470, %get3A_467, %broadcast_in_dim3A_472 : vector<16xi1>, vector<16xf32>
      %add3A_474 = arith.addf %add3A_461, %select_n3A_473 : vector<16xf32>
      %swap3A_475 = arith.constant 224 : index
      %swap3A_476 = tpu.vector_load %arg7[%swap3A_475] {strides = array<i32>} : memref<512xf32, #tpu.memory_space<vmem>>, vector<16xf32>,
      %swap3A_477 = vector.shape_cast %swap3A_476 : vector<16xf32> to vector<16xf32>
      %swap3A_478 = vector.shape_cast %add3A_474 : vector<16xf32> to vector<16xf32>
      tpu.vector_store %arg7[%swap3A_475], %swap3A_478 {strides = array<i32>} : memref<512xf32, #tpu.memory_space<vmem>>, vector<16xf32>,
      %broadcast_in_dim3A_479 = arith.constant 0.000000e+00 : f32
      %broadcast_in_dim3A_480 = vector.broadcast %broadcast_in_dim3A_479 : f32 to vector<16xf32>
      %get3A_481 = arith.constant 16 : index
      %get3A_482 = tpu.vector_load %arg5[%get3A_481] {strides = array<i32>} : memref<64xi32, #tpu.memory_space<vmem>>, vector<16xi32>,
      %get3A_483 = vector.shape_cast %get3A_482 : vector<16xi32> to vector<16xi32>
      %get3A_484 = arith.constant 16 : index
      %get3A_485 = tpu.vector_load %arg6[%get3A_484] {strides = array<i32>} : memref<64xf32, #tpu.memory_space<vmem>>, vector<16xf32>,
      %get3A_486 = vector.shape_cast %get3A_485 : vector<16xf32> to vector<16xf32>
      %eq3A_487 = arith.constant 7 : i32
      %eq3A_488 = vector.broadcast %eq3A_487 : i32 to vector<16xi32>
      %eq3A_489 = arith.cmpi eq, %get3A_483, %eq3A_488 : vector<16xi32>
      %broadcast_in_dim3A_490 = arith.constant 0.000000e+00 : f32
      %broadcast_in_dim3A_491 = vector.broadcast %broadcast_in_dim3A_490 : f32 to vector<16xf32>
      %select_n3A_492 = arith.select %eq3A_489, %get3A_486, %broadcast_in_dim3A_491 : vector<16xi1>, vector<16xf32>
      %add3A_493 = arith.addf %broadcast_in_dim3A_480, %select_n3A_492 : vector<16xf32>
      %get3A_494 = arith.constant 48 : index
      %get3A_495 = tpu.vector_load %arg5[%get3A_494] {strides = array<i32>} : memref<64xi32, #tpu.memory_space<vmem>>, vector<16xi32>,
      %get3A_496 = vector.shape_cast %get3A_495 : vector<16xi32> to vector<16xi32>
      %get3A_497 = arith.constant 48 : index
      %get3A_498 = tpu.vector_load %arg6[%get3A_497] {strides = array<i32>} : memref<64xf32, #tpu.memory_space<vmem>>, vector<16xf32>,
      %get3A_499 = vector.shape_cast %get3A_498 : vector<16xf32> to vector<16xf32>
      %eq3A_500 = arith.constant 7 : i32
      %eq3A_501 = vector.broadcast %eq3A_500 : i32 to vector<16xi32>
      %eq3A_502 = arith.cmpi eq, %get3A_496, %eq3A_501 : vector<16xi32>
      %broadcast_in_dim3A_503 = arith.constant 0.000000e+00 : f32
      %broadcast_in_dim3A_504 = vector.broadcast %broadcast_in_dim3A_503 : f32 to vector<16xf32>
      %select_n3A_505 = arith.select %eq3A_502, %get3A_499, %broadcast_in_dim3A_504 : vector<16xi1>, vector<16xf32>
      %add3A_506 = arith.addf %add3A_493, %select_n3A_505 : vector<16xf32>
      %swap3A_507 = arith.constant 240 : index
      %swap3A_508 = tpu.vector_load %arg7[%swap3A_507] {strides = array<i32>} : memref<512xf32, #tpu.memory_space<vmem>>, vector<16xf32>,
      %swap3A_509 = vector.shape_cast %swap3A_508 : vector<16xf32> to vector<16xf32>
      %swap3A_510 = vector.shape_cast %add3A_506 : vector<16xf32> to vector<16xf32>
      tpu.vector_store %arg7[%swap3A_507], %swap3A_510 {strides = array<i32>} : memref<512xf32, #tpu.memory_space<vmem>>, vector<16xf32>,
      %broadcast_in_dim3A_511 = arith.constant 0.000000e+00 : f32
      %broadcast_in_dim3A_512 = vector.broadcast %broadcast_in_dim3A_511 : f32 to vector<16xf32>
      %get3A_513 = arith.constant 0 : index
      %get3A_514 = tpu.vector_load %arg5[%get3A_513] {strides = array<i32>} : memref<64xi32, #tpu.memory_space<vmem>>, vector<16xi32>,
      %get3A_515 = vector.shape_cast %get3A_514 : vector<16xi32> to vector<16xi32>
      %get3A_516 = arith.constant 0 : index
      %get3A_517 = tpu.vector_load %arg6[%get3A_516] {strides = array<i32>} : memref<64xf32, #tpu.memory_space<vmem>>, vector<16xf32>,
      %get3A_518 = vector.shape_cast %get3A_517 : vector<16xf32> to vector<16xf32>
      %eq3A_519 = arith.constant 8 : i32
      %eq3A_520 = vector.broadcast %eq3A_519 : i32 to vector<16xi32>
      %eq3A_521 = arith.cmpi eq, %get3A_515, %eq3A_520 : vector<16xi32>
      %broadcast_in_dim3A_522 = arith.constant 0.000000e+00 : f32
      %broadcast_in_dim3A_523 = vector.broadcast %broadcast_in_dim3A_522 : f32 to vector<16xf32>
      %select_n3A_524 = arith.select %eq3A_521, %get3A_518, %broadcast_in_dim3A_523 : vector<16xi1>, vector<16xf32>
      %add3A_525 = arith.addf %broadcast_in_dim3A_512, %select_n3A_524 : vector<16xf32>
      %get3A_526 = arith.constant 32 : index
      %get3A_527 = tpu.vector_load %arg5[%get3A_526] {strides = array<i32>} : memref<64xi32, #tpu.memory_space<vmem>>, vector<16xi32>,
      %get3A_528 = vector.shape_cast %get3A_527 : vector<16xi32> to vector<16xi32>
      %get3A_529 = arith.constant 32 : index
      %get3A_530 = tpu.vector_load %arg6[%get3A_529] {strides = array<i32>} : memref<64xf32, #tpu.memory_space<vmem>>, vector<16xf32>,
      %get3A_531 = vector.shape_cast %get3A_530 : vector<16xf32> to vector<16xf32>
      %eq3A_532 = arith.constant 8 : i32
      %eq3A_533 = vector.broadcast %eq3A_532 : i32 to vector<16xi32>
      %eq3A_534 = arith.cmpi eq, %get3A_528, %eq3A_533 : vector<16xi32>
      %broadcast_in_dim3A_535 = arith.constant 0.000000e+00 : f32
      %broadcast_in_dim3A_536 = vector.broadcast %broadcast_in_dim3A_535 : f32 to vector<16xf32>
      %select_n3A_537 = arith.select %eq3A_534, %get3A_531, %broadcast_in_dim3A_536 : vector<16xi1>, vector<16xf32>
      %add3A_538 = arith.addf %add3A_525, %select_n3A_537 : vector<16xf32>
      %swap3A_539 = arith.constant 256 : index
      %swap3A_540 = tpu.vector_load %arg7[%swap3A_539] {strides = array<i32>} : memref<512xf32, #tpu.memory_space<vmem>>, vector<16xf32>,
      %swap3A_541 = vector.shape_cast %swap3A_540 : vector<16xf32> to vector<16xf32>
      %swap3A_542 = vector.shape_cast %add3A_538 : vector<16xf32> to vector<16xf32>
      tpu.vector_store %arg7[%swap3A_539], %swap3A_542 {strides = array<i32>} : memref<512xf32, #tpu.memory_space<vmem>>, vector<16xf32>,
      %broadcast_in_dim3A_543 = arith.constant 0.000000e+00 : f32
      %broadcast_in_dim3A_544 = vector.broadcast %broadcast_in_dim3A_543 : f32 to vector<16xf32>
      %get3A_545 = arith.constant 16 : index
      %get3A_546 = tpu.vector_load %arg5[%get3A_545] {strides = array<i32>} : memref<64xi32, #tpu.memory_space<vmem>>, vector<16xi32>,
      %get3A_547 = vector.shape_cast %get3A_546 : vector<16xi32> to vector<16xi32>
      %get3A_548 = arith.constant 16 : index
      %get3A_549 = tpu.vector_load %arg6[%get3A_548] {strides = array<i32>} : memref<64xf32, #tpu.memory_space<vmem>>, vector<16xf32>,
      %get3A_550 = vector.shape_cast %get3A_549 : vector<16xf32> to vector<16xf32>
      %eq3A_551 = arith.constant 8 : i32
      %eq3A_552 = vector.broadcast %eq3A_551 : i32 to vector<16xi32>
      %eq3A_553 = arith.cmpi eq, %get3A_547, %eq3A_552 : vector<16xi32>
      %broadcast_in_dim3A_554 = arith.constant 0.000000e+00 : f32
      %broadcast_in_dim3A_555 = vector.broadcast %broadcast_in_dim3A_554 : f32 to vector<16xf32>
      %select_n3A_556 = arith.select %eq3A_553, %get3A_550, %broadcast_in_dim3A_555 : vector<16xi1>, vector<16xf32>
      %add3A_557 = arith.addf %broadcast_in_dim3A_544, %select_n3A_556 : vector<16xf32>
      %get3A_558 = arith.constant 48 : index
      %get3A_559 = tpu.vector_load %arg5[%get3A_558] {strides = array<i32>} : memref<64xi32, #tpu.memory_space<vmem>>, vector<16xi32>,
      %get3A_560 = vector.shape_cast %get3A_559 : vector<16xi32> to vector<16xi32>
      %get3A_561 = arith.constant 48 : index
      %get3A_562 = tpu.vector_load %arg6[%get3A_561] {strides = array<i32>} : memref<64xf32, #tpu.memory_space<vmem>>, vector<16xf32>,
      %get3A_563 = vector.shape_cast %get3A_562 : vector<16xf32> to vector<16xf32>
      %eq3A_564 = arith.constant 8 : i32
      %eq3A_565 = vector.broadcast %eq3A_564 : i32 to vector<16xi32>
      %eq3A_566 = arith.cmpi eq, %get3A_560, %eq3A_565 : vector<16xi32>
      %broadcast_in_dim3A_567 = arith.constant 0.000000e+00 : f32
      %broadcast_in_dim3A_568 = vector.broadcast %broadcast_in_dim3A_567 : f32 to vector<16xf32>
      %select_n3A_569 = arith.select %eq3A_566, %get3A_563, %broadcast_in_dim3A_568 : vector<16xi1>, vector<16xf32>
      %add3A_570 = arith.addf %add3A_557, %select_n3A_569 : vector<16xf32>
      %swap3A_571 = arith.constant 272 : index
      %swap3A_572 = tpu.vector_load %arg7[%swap3A_571] {strides = array<i32>} : memref<512xf32, #tpu.memory_space<vmem>>, vector<16xf32>,
      %swap3A_573 = vector.shape_cast %swap3A_572 : vector<16xf32> to vector<16xf32>
      %swap3A_574 = vector.shape_cast %add3A_570 : vector<16xf32> to vector<16xf32>
      tpu.vector_store %arg7[%swap3A_571], %swap3A_574 {strides = array<i32>} : memref<512xf32, #tpu.memory_space<vmem>>, vector<16xf32>,
      %broadcast_in_dim3A_575 = arith.constant 0.000000e+00 : f32
      %broadcast_in_dim3A_576 = vector.broadcast %broadcast_in_dim3A_575 : f32 to vector<16xf32>
      %get3A_577 = arith.constant 0 : index
      %get3A_578 = tpu.vector_load %arg5[%get3A_577] {strides = array<i32>} : memref<64xi32, #tpu.memory_space<vmem>>, vector<16xi32>,
      %get3A_579 = vector.shape_cast %get3A_578 : vector<16xi32> to vector<16xi32>
      %get3A_580 = arith.constant 0 : index
      %get3A_581 = tpu.vector_load %arg6[%get3A_580] {strides = array<i32>} : memref<64xf32, #tpu.memory_space<vmem>>, vector<16xf32>,
      %get3A_582 = vector.shape_cast %get3A_581 : vector<16xf32> to vector<16xf32>
      %eq3A_583 = arith.constant 9 : i32
      %eq3A_584 = vector.broadcast %eq3A_583 : i32 to vector<16xi32>
      %eq3A_585 = arith.cmpi eq, %get3A_579, %eq3A_584 : vector<16xi32>
      %broadcast_in_dim3A_586 = arith.constant 0.000000e+00 : f32
      %broadcast_in_dim3A_587 = vector.broadcast %broadcast_in_dim3A_586 : f32 to vector<16xf32>
      %select_n3A_588 = arith.select %eq3A_585, %get3A_582, %broadcast_in_dim3A_587 : vector<16xi1>, vector<16xf32>
      %add3A_589 = arith.addf %broadcast_in_dim3A_576, %select_n3A_588 : vector<16xf32>
      %get3A_590 = arith.constant 32 : index
      %get3A_591 = tpu.vector_load %arg5[%get3A_590] {strides = array<i32>} : memref<64xi32, #tpu.memory_space<vmem>>, vector<16xi32>,
      %get3A_592 = vector.shape_cast %get3A_591 : vector<16xi32> to vector<16xi32>
      %get3A_593 = arith.constant 32 : index
      %get3A_594 = tpu.vector_load %arg6[%get3A_593] {strides = array<i32>} : memref<64xf32, #tpu.memory_space<vmem>>, vector<16xf32>,
      %get3A_595 = vector.shape_cast %get3A_594 : vector<16xf32> to vector<16xf32>
      %eq3A_596 = arith.constant 9 : i32
      %eq3A_597 = vector.broadcast %eq3A_596 : i32 to vector<16xi32>
      %eq3A_598 = arith.cmpi eq, %get3A_592, %eq3A_597 : vector<16xi32>
      %broadcast_in_dim3A_599 = arith.constant 0.000000e+00 : f32
      %broadcast_in_dim3A_600 = vector.broadcast %broadcast_in_dim3A_599 : f32 to vector<16xf32>
      %select_n3A_601 = arith.select %eq3A_598, %get3A_595, %broadcast_in_dim3A_600 : vector<16xi1>, vector<16xf32>
      %add3A_602 = arith.addf %add3A_589, %select_n3A_601 : vector<16xf32>
      %swap3A_603 = arith.constant 288 : index
      %swap3A_604 = tpu.vector_load %arg7[%swap3A_603] {strides = array<i32>} : memref<512xf32, #tpu.memory_space<vmem>>, vector<16xf32>,
      %swap3A_605 = vector.shape_cast %swap3A_604 : vector<16xf32> to vector<16xf32>
      %swap3A_606 = vector.shape_cast %add3A_602 : vector<16xf32> to vector<16xf32>
      tpu.vector_store %arg7[%swap3A_603], %swap3A_606 {strides = array<i32>} : memref<512xf32, #tpu.memory_space<vmem>>, vector<16xf32>,
      %broadcast_in_dim3A_607 = arith.constant 0.000000e+00 : f32
      %broadcast_in_dim3A_608 = vector.broadcast %broadcast_in_dim3A_607 : f32 to vector<16xf32>
      %get3A_609 = arith.constant 16 : index
      %get3A_610 = tpu.vector_load %arg5[%get3A_609] {strides = array<i32>} : memref<64xi32, #tpu.memory_space<vmem>>, vector<16xi32>,
      %get3A_611 = vector.shape_cast %get3A_610 : vector<16xi32> to vector<16xi32>
      %get3A_612 = arith.constant 16 : index
      %get3A_613 = tpu.vector_load %arg6[%get3A_612] {strides = array<i32>} : memref<64xf32, #tpu.memory_space<vmem>>, vector<16xf32>,
      %get3A_614 = vector.shape_cast %get3A_613 : vector<16xf32> to vector<16xf32>
      %eq3A_615 = arith.constant 9 : i32
      %eq3A_616 = vector.broadcast %eq3A_615 : i32 to vector<16xi32>
      %eq3A_617 = arith.cmpi eq, %get3A_611, %eq3A_616 : vector<16xi32>
      %broadcast_in_dim3A_618 = arith.constant 0.000000e+00 : f32
      %broadcast_in_dim3A_619 = vector.broadcast %broadcast_in_dim3A_618 : f32 to vector<16xf32>
      %select_n3A_620 = arith.select %eq3A_617, %get3A_614, %broadcast_in_dim3A_619 : vector<16xi1>, vector<16xf32>
      %add3A_621 = arith.addf %broadcast_in_dim3A_608, %select_n3A_620 : vector<16xf32>
      %get3A_622 = arith.constant 48 : index
      %get3A_623 = tpu.vector_load %arg5[%get3A_622] {strides = array<i32>} : memref<64xi32, #tpu.memory_space<vmem>>, vector<16xi32>,
      %get3A_624 = vector.shape_cast %get3A_623 : vector<16xi32> to vector<16xi32>
      %get3A_625 = arith.constant 48 : index
      %get3A_626 = tpu.vector_load %arg6[%get3A_625] {strides = array<i32>} : memref<64xf32, #tpu.memory_space<vmem>>, vector<16xf32>,
      %get3A_627 = vector.shape_cast %get3A_626 : vector<16xf32> to vector<16xf32>
      %eq3A_628 = arith.constant 9 : i32
      %eq3A_629 = vector.broadcast %eq3A_628 : i32 to vector<16xi32>
      %eq3A_630 = arith.cmpi eq, %get3A_624, %eq3A_629 : vector<16xi32>
      %broadcast_in_dim3A_631 = arith.constant 0.000000e+00 : f32
      %broadcast_in_dim3A_632 = vector.broadcast %broadcast_in_dim3A_631 : f32 to vector<16xf32>
      %select_n3A_633 = arith.select %eq3A_630, %get3A_627, %broadcast_in_dim3A_632 : vector<16xi1>, vector<16xf32>
      %add3A_634 = arith.addf %add3A_621, %select_n3A_633 : vector<16xf32>
      %swap3A_635 = arith.constant 304 : index
      %swap3A_636 = tpu.vector_load %arg7[%swap3A_635] {strides = array<i32>} : memref<512xf32, #tpu.memory_space<vmem>>, vector<16xf32>,
      %swap3A_637 = vector.shape_cast %swap3A_636 : vector<16xf32> to vector<16xf32>
      %swap3A_638 = vector.shape_cast %add3A_634 : vector<16xf32> to vector<16xf32>
      tpu.vector_store %arg7[%swap3A_635], %swap3A_638 {strides = array<i32>} : memref<512xf32, #tpu.memory_space<vmem>>, vector<16xf32>,
      %broadcast_in_dim3A_639 = arith.constant 0.000000e+00 : f32
      %broadcast_in_dim3A_640 = vector.broadcast %broadcast_in_dim3A_639 : f32 to vector<16xf32>
      %get3A_641 = arith.constant 0 : index
      %get3A_642 = tpu.vector_load %arg5[%get3A_641] {strides = array<i32>} : memref<64xi32, #tpu.memory_space<vmem>>, vector<16xi32>,
      %get3A_643 = vector.shape_cast %get3A_642 : vector<16xi32> to vector<16xi32>
      %get3A_644 = arith.constant 0 : index
      %get3A_645 = tpu.vector_load %arg6[%get3A_644] {strides = array<i32>} : memref<64xf32, #tpu.memory_space<vmem>>, vector<16xf32>,
      %get3A_646 = vector.shape_cast %get3A_645 : vector<16xf32> to vector<16xf32>
      %eq3A_647 = arith.constant 10 : i32
      %eq3A_648 = vector.broadcast %eq3A_647 : i32 to vector<16xi32>
      %eq3A_649 = arith.cmpi eq, %get3A_643, %eq3A_648 : vector<16xi32>
      %broadcast_in_dim3A_650 = arith.constant 0.000000e+00 : f32
      %broadcast_in_dim3A_651 = vector.broadcast %broadcast_in_dim3A_650 : f32 to vector<16xf32>
      %select_n3A_652 = arith.select %eq3A_649, %get3A_646, %broadcast_in_dim3A_651 : vector<16xi1>, vector<16xf32>
      %add3A_653 = arith.addf %broadcast_in_dim3A_640, %select_n3A_652 : vector<16xf32>
      %get3A_654 = arith.constant 32 : index
      %get3A_655 = tpu.vector_load %arg5[%get3A_654] {strides = array<i32>} : memref<64xi32, #tpu.memory_space<vmem>>, vector<16xi32>,
      %get3A_656 = vector.shape_cast %get3A_655 : vector<16xi32> to vector<16xi32>
      %get3A_657 = arith.constant 32 : index
      %get3A_658 = tpu.vector_load %arg6[%get3A_657] {strides = array<i32>} : memref<64xf32, #tpu.memory_space<vmem>>, vector<16xf32>,
      %get3A_659 = vector.shape_cast %get3A_658 : vector<16xf32> to vector<16xf32>
      %eq3A_660 = arith.constant 10 : i32
      %eq3A_661 = vector.broadcast %eq3A_660 : i32 to vector<16xi32>
      %eq3A_662 = arith.cmpi eq, %get3A_656, %eq3A_661 : vector<16xi32>
      %broadcast_in_dim3A_663 = arith.constant 0.000000e+00 : f32
      %broadcast_in_dim3A_664 = vector.broadcast %broadcast_in_dim3A_663 : f32 to vector<16xf32>
      %select_n3A_665 = arith.select %eq3A_662, %get3A_659, %broadcast_in_dim3A_664 : vector<16xi1>, vector<16xf32>
      %add3A_666 = arith.addf %add3A_653, %select_n3A_665 : vector<16xf32>
      %swap3A_667 = arith.constant 320 : index
      %swap3A_668 = tpu.vector_load %arg7[%swap3A_667] {strides = array<i32>} : memref<512xf32, #tpu.memory_space<vmem>>, vector<16xf32>,
      %swap3A_669 = vector.shape_cast %swap3A_668 : vector<16xf32> to vector<16xf32>
      %swap3A_670 = vector.shape_cast %add3A_666 : vector<16xf32> to vector<16xf32>
      tpu.vector_store %arg7[%swap3A_667], %swap3A_670 {strides = array<i32>} : memref<512xf32, #tpu.memory_space<vmem>>, vector<16xf32>,
      %broadcast_in_dim3A_671 = arith.constant 0.000000e+00 : f32
      %broadcast_in_dim3A_672 = vector.broadcast %broadcast_in_dim3A_671 : f32 to vector<16xf32>
      %get3A_673 = arith.constant 16 : index
      %get3A_674 = tpu.vector_load %arg5[%get3A_673] {strides = array<i32>} : memref<64xi32, #tpu.memory_space<vmem>>, vector<16xi32>,
      %get3A_675 = vector.shape_cast %get3A_674 : vector<16xi32> to vector<16xi32>
      %get3A_676 = arith.constant 16 : index
      %get3A_677 = tpu.vector_load %arg6[%get3A_676] {strides = array<i32>} : memref<64xf32, #tpu.memory_space<vmem>>, vector<16xf32>,
      %get3A_678 = vector.shape_cast %get3A_677 : vector<16xf32> to vector<16xf32>
      %eq3A_679 = arith.constant 10 : i32
      %eq3A_680 = vector.broadcast %eq3A_679 : i32 to vector<16xi32>
      %eq3A_681 = arith.cmpi eq, %get3A_675, %eq3A_680 : vector<16xi32>
      %broadcast_in_dim3A_682 = arith.constant 0.000000e+00 : f32
      %broadcast_in_dim3A_683 = vector.broadcast %broadcast_in_dim3A_682 : f32 to vector<16xf32>
      %select_n3A_684 = arith.select %eq3A_681, %get3A_678, %broadcast_in_dim3A_683 : vector<16xi1>, vector<16xf32>
      %add3A_685 = arith.addf %broadcast_in_dim3A_672, %select_n3A_684 : vector<16xf32>
      %get3A_686 = arith.constant 48 : index
      %get3A_687 = tpu.vector_load %arg5[%get3A_686] {strides = array<i32>} : memref<64xi32, #tpu.memory_space<vmem>>, vector<16xi32>,
      %get3A_688 = vector.shape_cast %get3A_687 : vector<16xi32> to vector<16xi32>
      %get3A_689 = arith.constant 48 : index
      %get3A_690 = tpu.vector_load %arg6[%get3A_689] {strides = array<i32>} : memref<64xf32, #tpu.memory_space<vmem>>, vector<16xf32>,
      %get3A_691 = vector.shape_cast %get3A_690 : vector<16xf32> to vector<16xf32>
      %eq3A_692 = arith.constant 10 : i32
      %eq3A_693 = vector.broadcast %eq3A_692 : i32 to vector<16xi32>
      %eq3A_694 = arith.cmpi eq, %get3A_688, %eq3A_693 : vector<16xi32>
      %broadcast_in_dim3A_695 = arith.constant 0.000000e+00 : f32
      %broadcast_in_dim3A_696 = vector.broadcast %broadcast_in_dim3A_695 : f32 to vector<16xf32>
      %select_n3A_697 = arith.select %eq3A_694, %get3A_691, %broadcast_in_dim3A_696 : vector<16xi1>, vector<16xf32>
      %add3A_698 = arith.addf %add3A_685, %select_n3A_697 : vector<16xf32>
      %swap3A_699 = arith.constant 336 : index
      %swap3A_700 = tpu.vector_load %arg7[%swap3A_699] {strides = array<i32>} : memref<512xf32, #tpu.memory_space<vmem>>, vector<16xf32>,
      %swap3A_701 = vector.shape_cast %swap3A_700 : vector<16xf32> to vector<16xf32>
      %swap3A_702 = vector.shape_cast %add3A_698 : vector<16xf32> to vector<16xf32>
      tpu.vector_store %arg7[%swap3A_699], %swap3A_702 {strides = array<i32>} : memref<512xf32, #tpu.memory_space<vmem>>, vector<16xf32>,
      %broadcast_in_dim3A_703 = arith.constant 0.000000e+00 : f32
      %broadcast_in_dim3A_704 = vector.broadcast %broadcast_in_dim3A_703 : f32 to vector<16xf32>
      %get3A_705 = arith.constant 0 : index
      %get3A_706 = tpu.vector_load %arg5[%get3A_705] {strides = array<i32>} : memref<64xi32, #tpu.memory_space<vmem>>, vector<16xi32>,
      %get3A_707 = vector.shape_cast %get3A_706 : vector<16xi32> to vector<16xi32>
      %get3A_708 = arith.constant 0 : index
      %get3A_709 = tpu.vector_load %arg6[%get3A_708] {strides = array<i32>} : memref<64xf32, #tpu.memory_space<vmem>>, vector<16xf32>,
      %get3A_710 = vector.shape_cast %get3A_709 : vector<16xf32> to vector<16xf32>
      %eq3A_711 = arith.constant 11 : i32
      %eq3A_712 = vector.broadcast %eq3A_711 : i32 to vector<16xi32>
      %eq3A_713 = arith.cmpi eq, %get3A_707, %eq3A_712 : vector<16xi32>
      %broadcast_in_dim3A_714 = arith.constant 0.000000e+00 : f32
      %broadcast_in_dim3A_715 = vector.broadcast %broadcast_in_dim3A_714 : f32 to vector<16xf32>
      %select_n3A_716 = arith.select %eq3A_713, %get3A_710, %broadcast_in_dim3A_715 : vector<16xi1>, vector<16xf32>
      %add3A_717 = arith.addf %broadcast_in_dim3A_704, %select_n3A_716 : vector<16xf32>
      %get3A_718 = arith.constant 32 : index
      %get3A_719 = tpu.vector_load %arg5[%get3A_718] {strides = array<i32>} : memref<64xi32, #tpu.memory_space<vmem>>, vector<16xi32>,
      %get3A_720 = vector.shape_cast %get3A_719 : vector<16xi32> to vector<16xi32>
      %get3A_721 = arith.constant 32 : index
      %get3A_722 = tpu.vector_load %arg6[%get3A_721] {strides = array<i32>} : memref<64xf32, #tpu.memory_space<vmem>>, vector<16xf32>,
      %get3A_723 = vector.shape_cast %get3A_722 : vector<16xf32> to vector<16xf32>
      %eq3A_724 = arith.constant 11 : i32
      %eq3A_725 = vector.broadcast %eq3A_724 : i32 to vector<16xi32>
      %eq3A_726 = arith.cmpi eq, %get3A_720, %eq3A_725 : vector<16xi32>
      %broadcast_in_dim3A_727 = arith.constant 0.000000e+00 : f32
      %broadcast_in_dim3A_728 = vector.broadcast %broadcast_in_dim3A_727 : f32 to vector<16xf32>
      %select_n3A_729 = arith.select %eq3A_726, %get3A_723, %broadcast_in_dim3A_728 : vector<16xi1>, vector<16xf32>
      %add3A_730 = arith.addf %add3A_717, %select_n3A_729 : vector<16xf32>
      %swap3A_731 = arith.constant 352 : index
      %swap3A_732 = tpu.vector_load %arg7[%swap3A_731] {strides = array<i32>} : memref<512xf32, #tpu.memory_space<vmem>>, vector<16xf32>,
      %swap3A_733 = vector.shape_cast %swap3A_732 : vector<16xf32> to vector<16xf32>
      %swap3A_734 = vector.shape_cast %add3A_730 : vector<16xf32> to vector<16xf32>
      tpu.vector_store %arg7[%swap3A_731], %swap3A_734 {strides = array<i32>} : memref<512xf32, #tpu.memory_space<vmem>>, vector<16xf32>,
      %broadcast_in_dim3A_735 = arith.constant 0.000000e+00 : f32
      %broadcast_in_dim3A_736 = vector.broadcast %broadcast_in_dim3A_735 : f32 to vector<16xf32>
      %get3A_737 = arith.constant 16 : index
      %get3A_738 = tpu.vector_load %arg5[%get3A_737] {strides = array<i32>} : memref<64xi32, #tpu.memory_space<vmem>>, vector<16xi32>,
      %get3A_739 = vector.shape_cast %get3A_738 : vector<16xi32> to vector<16xi32>
      %get3A_740 = arith.constant 16 : index
      %get3A_741 = tpu.vector_load %arg6[%get3A_740] {strides = array<i32>} : memref<64xf32, #tpu.memory_space<vmem>>, vector<16xf32>,
      %get3A_742 = vector.shape_cast %get3A_741 : vector<16xf32> to vector<16xf32>
      %eq3A_743 = arith.constant 11 : i32
      %eq3A_744 = vector.broadcast %eq3A_743 : i32 to vector<16xi32>
      %eq3A_745 = arith.cmpi eq, %get3A_739, %eq3A_744 : vector<16xi32>
      %broadcast_in_dim3A_746 = arith.constant 0.000000e+00 : f32
      %broadcast_in_dim3A_747 = vector.broadcast %broadcast_in_dim3A_746 : f32 to vector<16xf32>
      %select_n3A_748 = arith.select %eq3A_745, %get3A_742, %broadcast_in_dim3A_747 : vector<16xi1>, vector<16xf32>
      %add3A_749 = arith.addf %broadcast_in_dim3A_736, %select_n3A_748 : vector<16xf32>
      %get3A_750 = arith.constant 48 : index
      %get3A_751 = tpu.vector_load %arg5[%get3A_750] {strides = array<i32>} : memref<64xi32, #tpu.memory_space<vmem>>, vector<16xi32>,
      %get3A_752 = vector.shape_cast %get3A_751 : vector<16xi32> to vector<16xi32>
      %get3A_753 = arith.constant 48 : index
      %get3A_754 = tpu.vector_load %arg6[%get3A_753] {strides = array<i32>} : memref<64xf32, #tpu.memory_space<vmem>>, vector<16xf32>,
      %get3A_755 = vector.shape_cast %get3A_754 : vector<16xf32> to vector<16xf32>
      %eq3A_756 = arith.constant 11 : i32
      %eq3A_757 = vector.broadcast %eq3A_756 : i32 to vector<16xi32>
      %eq3A_758 = arith.cmpi eq, %get3A_752, %eq3A_757 : vector<16xi32>
      %broadcast_in_dim3A_759 = arith.constant 0.000000e+00 : f32
      %broadcast_in_dim3A_760 = vector.broadcast %broadcast_in_dim3A_759 : f32 to vector<16xf32>
      %select_n3A_761 = arith.select %eq3A_758, %get3A_755, %broadcast_in_dim3A_760 : vector<16xi1>, vector<16xf32>
      %add3A_762 = arith.addf %add3A_749, %select_n3A_761 : vector<16xf32>
      %swap3A_763 = arith.constant 368 : index
      %swap3A_764 = tpu.vector_load %arg7[%swap3A_763] {strides = array<i32>} : memref<512xf32, #tpu.memory_space<vmem>>, vector<16xf32>,
      %swap3A_765 = vector.shape_cast %swap3A_764 : vector<16xf32> to vector<16xf32>
      %swap3A_766 = vector.shape_cast %add3A_762 : vector<16xf32> to vector<16xf32>
      tpu.vector_store %arg7[%swap3A_763], %swap3A_766 {strides = array<i32>} : memref<512xf32, #tpu.memory_space<vmem>>, vector<16xf32>,
      %broadcast_in_dim3A_767 = arith.constant 0.000000e+00 : f32
      %broadcast_in_dim3A_768 = vector.broadcast %broadcast_in_dim3A_767 : f32 to vector<16xf32>
      %get3A_769 = arith.constant 0 : index
      %get3A_770 = tpu.vector_load %arg5[%get3A_769] {strides = array<i32>} : memref<64xi32, #tpu.memory_space<vmem>>, vector<16xi32>,
      %get3A_771 = vector.shape_cast %get3A_770 : vector<16xi32> to vector<16xi32>
      %get3A_772 = arith.constant 0 : index
      %get3A_773 = tpu.vector_load %arg6[%get3A_772] {strides = array<i32>} : memref<64xf32, #tpu.memory_space<vmem>>, vector<16xf32>,
      %get3A_774 = vector.shape_cast %get3A_773 : vector<16xf32> to vector<16xf32>
      %eq3A_775 = arith.constant 12 : i32
      %eq3A_776 = vector.broadcast %eq3A_775 : i32 to vector<16xi32>
      %eq3A_777 = arith.cmpi eq, %get3A_771, %eq3A_776 : vector<16xi32>
      %broadcast_in_dim3A_778 = arith.constant 0.000000e+00 : f32
      %broadcast_in_dim3A_779 = vector.broadcast %broadcast_in_dim3A_778 : f32 to vector<16xf32>
      %select_n3A_780 = arith.select %eq3A_777, %get3A_774, %broadcast_in_dim3A_779 : vector<16xi1>, vector<16xf32>
      %add3A_781 = arith.addf %broadcast_in_dim3A_768, %select_n3A_780 : vector<16xf32>
      %get3A_782 = arith.constant 32 : index
      %get3A_783 = tpu.vector_load %arg5[%get3A_782] {strides = array<i32>} : memref<64xi32, #tpu.memory_space<vmem>>, vector<16xi32>,
      %get3A_784 = vector.shape_cast %get3A_783 : vector<16xi32> to vector<16xi32>
      %get3A_785 = arith.constant 32 : index
      %get3A_786 = tpu.vector_load %arg6[%get3A_785] {strides = array<i32>} : memref<64xf32, #tpu.memory_space<vmem>>, vector<16xf32>,
      %get3A_787 = vector.shape_cast %get3A_786 : vector<16xf32> to vector<16xf32>
      %eq3A_788 = arith.constant 12 : i32
      %eq3A_789 = vector.broadcast %eq3A_788 : i32 to vector<16xi32>
      %eq3A_790 = arith.cmpi eq, %get3A_784, %eq3A_789 : vector<16xi32>
      %broadcast_in_dim3A_791 = arith.constant 0.000000e+00 : f32
      %broadcast_in_dim3A_792 = vector.broadcast %broadcast_in_dim3A_791 : f32 to vector<16xf32>
      %select_n3A_793 = arith.select %eq3A_790, %get3A_787, %broadcast_in_dim3A_792 : vector<16xi1>, vector<16xf32>
      %add3A_794 = arith.addf %add3A_781, %select_n3A_793 : vector<16xf32>
      %swap3A_795 = arith.constant 384 : index
      %swap3A_796 = tpu.vector_load %arg7[%swap3A_795] {strides = array<i32>} : memref<512xf32, #tpu.memory_space<vmem>>, vector<16xf32>,
      %swap3A_797 = vector.shape_cast %swap3A_796 : vector<16xf32> to vector<16xf32>
      %swap3A_798 = vector.shape_cast %add3A_794 : vector<16xf32> to vector<16xf32>
      tpu.vector_store %arg7[%swap3A_795], %swap3A_798 {strides = array<i32>} : memref<512xf32, #tpu.memory_space<vmem>>, vector<16xf32>,
      %broadcast_in_dim3A_799 = arith.constant 0.000000e+00 : f32
      %broadcast_in_dim3A_800 = vector.broadcast %broadcast_in_dim3A_799 : f32 to vector<16xf32>
      %get3A_801 = arith.constant 16 : index
      %get3A_802 = tpu.vector_load %arg5[%get3A_801] {strides = array<i32>} : memref<64xi32, #tpu.memory_space<vmem>>, vector<16xi32>,
      %get3A_803 = vector.shape_cast %get3A_802 : vector<16xi32> to vector<16xi32>
      %get3A_804 = arith.constant 16 : index
      %get3A_805 = tpu.vector_load %arg6[%get3A_804] {strides = array<i32>} : memref<64xf32, #tpu.memory_space<vmem>>, vector<16xf32>,
      %get3A_806 = vector.shape_cast %get3A_805 : vector<16xf32> to vector<16xf32>
      %eq3A_807 = arith.constant 12 : i32
      %eq3A_808 = vector.broadcast %eq3A_807 : i32 to vector<16xi32>
      %eq3A_809 = arith.cmpi eq, %get3A_803, %eq3A_808 : vector<16xi32>
      %broadcast_in_dim3A_810 = arith.constant 0.000000e+00 : f32
      %broadcast_in_dim3A_811 = vector.broadcast %broadcast_in_dim3A_810 : f32 to vector<16xf32>
      %select_n3A_812 = arith.select %eq3A_809, %get3A_806, %broadcast_in_dim3A_811 : vector<16xi1>, vector<16xf32>
      %add3A_813 = arith.addf %broadcast_in_dim3A_800, %select_n3A_812 : vector<16xf32>
      %get3A_814 = arith.constant 48 : index
      %get3A_815 = tpu.vector_load %arg5[%get3A_814] {strides = array<i32>} : memref<64xi32, #tpu.memory_space<vmem>>, vector<16xi32>,
      %get3A_816 = vector.shape_cast %get3A_815 : vector<16xi32> to vector<16xi32>
      %get3A_817 = arith.constant 48 : index
      %get3A_818 = tpu.vector_load %arg6[%get3A_817] {strides = array<i32>} : memref<64xf32, #tpu.memory_space<vmem>>, vector<16xf32>,
      %get3A_819 = vector.shape_cast %get3A_818 : vector<16xf32> to vector<16xf32>
      %eq3A_820 = arith.constant 12 : i32
      %eq3A_821 = vector.broadcast %eq3A_820 : i32 to vector<16xi32>
      %eq3A_822 = arith.cmpi eq, %get3A_816, %eq3A_821 : vector<16xi32>
      %broadcast_in_dim3A_823 = arith.constant 0.000000e+00 : f32
      %broadcast_in_dim3A_824 = vector.broadcast %broadcast_in_dim3A_823 : f32 to vector<16xf32>
      %select_n3A_825 = arith.select %eq3A_822, %get3A_819, %broadcast_in_dim3A_824 : vector<16xi1>, vector<16xf32>
      %add3A_826 = arith.addf %add3A_813, %select_n3A_825 : vector<16xf32>
      %swap3A_827 = arith.constant 400 : index
      %swap3A_828 = tpu.vector_load %arg7[%swap3A_827] {strides = array<i32>} : memref<512xf32, #tpu.memory_space<vmem>>, vector<16xf32>,
      %swap3A_829 = vector.shape_cast %swap3A_828 : vector<16xf32> to vector<16xf32>
      %swap3A_830 = vector.shape_cast %add3A_826 : vector<16xf32> to vector<16xf32>
      tpu.vector_store %arg7[%swap3A_827], %swap3A_830 {strides = array<i32>} : memref<512xf32, #tpu.memory_space<vmem>>, vector<16xf32>,
      %broadcast_in_dim3A_831 = arith.constant 0.000000e+00 : f32
      %broadcast_in_dim3A_832 = vector.broadcast %broadcast_in_dim3A_831 : f32 to vector<16xf32>
      %get3A_833 = arith.constant 0 : index
      %get3A_834 = tpu.vector_load %arg5[%get3A_833] {strides = array<i32>} : memref<64xi32, #tpu.memory_space<vmem>>, vector<16xi32>,
      %get3A_835 = vector.shape_cast %get3A_834 : vector<16xi32> to vector<16xi32>
      %get3A_836 = arith.constant 0 : index
      %get3A_837 = tpu.vector_load %arg6[%get3A_836] {strides = array<i32>} : memref<64xf32, #tpu.memory_space<vmem>>, vector<16xf32>,
      %get3A_838 = vector.shape_cast %get3A_837 : vector<16xf32> to vector<16xf32>
      %eq3A_839 = arith.constant 13 : i32
      %eq3A_840 = vector.broadcast %eq3A_839 : i32 to vector<16xi32>
      %eq3A_841 = arith.cmpi eq, %get3A_835, %eq3A_840 : vector<16xi32>
      %broadcast_in_dim3A_842 = arith.constant 0.000000e+00 : f32
      %broadcast_in_dim3A_843 = vector.broadcast %broadcast_in_dim3A_842 : f32 to vector<16xf32>
      %select_n3A_844 = arith.select %eq3A_841, %get3A_838, %broadcast_in_dim3A_843 : vector<16xi1>, vector<16xf32>
      %add3A_845 = arith.addf %broadcast_in_dim3A_832, %select_n3A_844 : vector<16xf32>
      %get3A_846 = arith.constant 32 : index
      %get3A_847 = tpu.vector_load %arg5[%get3A_846] {strides = array<i32>} : memref<64xi32, #tpu.memory_space<vmem>>, vector<16xi32>,
      %get3A_848 = vector.shape_cast %get3A_847 : vector<16xi32> to vector<16xi32>
      %get3A_849 = arith.constant 32 : index
      %get3A_850 = tpu.vector_load %arg6[%get3A_849] {strides = array<i32>} : memref<64xf32, #tpu.memory_space<vmem>>, vector<16xf32>,
      %get3A_851 = vector.shape_cast %get3A_850 : vector<16xf32> to vector<16xf32>
      %eq3A_852 = arith.constant 13 : i32
      %eq3A_853 = vector.broadcast %eq3A_852 : i32 to vector<16xi32>
      %eq3A_854 = arith.cmpi eq, %get3A_848, %eq3A_853 : vector<16xi32>
      %broadcast_in_dim3A_855 = arith.constant 0.000000e+00 : f32
      %broadcast_in_dim3A_856 = vector.broadcast %broadcast_in_dim3A_855 : f32 to vector<16xf32>
      %select_n3A_857 = arith.select %eq3A_854, %get3A_851, %broadcast_in_dim3A_856 : vector<16xi1>, vector<16xf32>
      %add3A_858 = arith.addf %add3A_845, %select_n3A_857 : vector<16xf32>
      %swap3A_859 = arith.constant 416 : index
      %swap3A_860 = tpu.vector_load %arg7[%swap3A_859] {strides = array<i32>} : memref<512xf32, #tpu.memory_space<vmem>>, vector<16xf32>,
      %swap3A_861 = vector.shape_cast %swap3A_860 : vector<16xf32> to vector<16xf32>
      %swap3A_862 = vector.shape_cast %add3A_858 : vector<16xf32> to vector<16xf32>
      tpu.vector_store %arg7[%swap3A_859], %swap3A_862 {strides = array<i32>} : memref<512xf32, #tpu.memory_space<vmem>>, vector<16xf32>,
      %broadcast_in_dim3A_863 = arith.constant 0.000000e+00 : f32
      %broadcast_in_dim3A_864 = vector.broadcast %broadcast_in_dim3A_863 : f32 to vector<16xf32>
      %get3A_865 = arith.constant 16 : index
      %get3A_866 = tpu.vector_load %arg5[%get3A_865] {strides = array<i32>} : memref<64xi32, #tpu.memory_space<vmem>>, vector<16xi32>,
      %get3A_867 = vector.shape_cast %get3A_866 : vector<16xi32> to vector<16xi32>
      %get3A_868 = arith.constant 16 : index
      %get3A_869 = tpu.vector_load %arg6[%get3A_868] {strides = array<i32>} : memref<64xf32, #tpu.memory_space<vmem>>, vector<16xf32>,
      %get3A_870 = vector.shape_cast %get3A_869 : vector<16xf32> to vector<16xf32>
      %eq3A_871 = arith.constant 13 : i32
      %eq3A_872 = vector.broadcast %eq3A_871 : i32 to vector<16xi32>
      %eq3A_873 = arith.cmpi eq, %get3A_867, %eq3A_872 : vector<16xi32>
      %broadcast_in_dim3A_874 = arith.constant 0.000000e+00 : f32
      %broadcast_in_dim3A_875 = vector.broadcast %broadcast_in_dim3A_874 : f32 to vector<16xf32>
      %select_n3A_876 = arith.select %eq3A_873, %get3A_870, %broadcast_in_dim3A_875 : vector<16xi1>, vector<16xf32>
      %add3A_877 = arith.addf %broadcast_in_dim3A_864, %select_n3A_876 : vector<16xf32>
      %get3A_878 = arith.constant 48 : index
      %get3A_879 = tpu.vector_load %arg5[%get3A_878] {strides = array<i32>} : memref<64xi32, #tpu.memory_space<vmem>>, vector<16xi32>,
      %get3A_880 = vector.shape_cast %get3A_879 : vector<16xi32> to vector<16xi32>
      %get3A_881 = arith.constant 48 : index
      %get3A_882 = tpu.vector_load %arg6[%get3A_881] {strides = array<i32>} : memref<64xf32, #tpu.memory_space<vmem>>, vector<16xf32>,
      %get3A_883 = vector.shape_cast %get3A_882 : vector<16xf32> to vector<16xf32>
      %eq3A_884 = arith.constant 13 : i32
      %eq3A_885 = vector.broadcast %eq3A_884 : i32 to vector<16xi32>
      %eq3A_886 = arith.cmpi eq, %get3A_880, %eq3A_885 : vector<16xi32>
      %broadcast_in_dim3A_887 = arith.constant 0.000000e+00 : f32
      %broadcast_in_dim3A_888 = vector.broadcast %broadcast_in_dim3A_887 : f32 to vector<16xf32>
      %select_n3A_889 = arith.select %eq3A_886, %get3A_883, %broadcast_in_dim3A_888 : vector<16xi1>, vector<16xf32>
      %add3A_890 = arith.addf %add3A_877, %select_n3A_889 : vector<16xf32>
      %swap3A_891 = arith.constant 432 : index
      %swap3A_892 = tpu.vector_load %arg7[%swap3A_891] {strides = array<i32>} : memref<512xf32, #tpu.memory_space<vmem>>, vector<16xf32>,
      %swap3A_893 = vector.shape_cast %swap3A_892 : vector<16xf32> to vector<16xf32>
      %swap3A_894 = vector.shape_cast %add3A_890 : vector<16xf32> to vector<16xf32>
      tpu.vector_store %arg7[%swap3A_891], %swap3A_894 {strides = array<i32>} : memref<512xf32, #tpu.memory_space<vmem>>, vector<16xf32>,
      %broadcast_in_dim3A_895 = arith.constant 0.000000e+00 : f32
      %broadcast_in_dim3A_896 = vector.broadcast %broadcast_in_dim3A_895 : f32 to vector<16xf32>
      %get3A_897 = arith.constant 0 : index
      %get3A_898 = tpu.vector_load %arg5[%get3A_897] {strides = array<i32>} : memref<64xi32, #tpu.memory_space<vmem>>, vector<16xi32>,
      %get3A_899 = vector.shape_cast %get3A_898 : vector<16xi32> to vector<16xi32>
      %get3A_900 = arith.constant 0 : index
      %get3A_901 = tpu.vector_load %arg6[%get3A_900] {strides = array<i32>} : memref<64xf32, #tpu.memory_space<vmem>>, vector<16xf32>,
      %get3A_902 = vector.shape_cast %get3A_901 : vector<16xf32> to vector<16xf32>
      %eq3A_903 = arith.constant 14 : i32
      %eq3A_904 = vector.broadcast %eq3A_903 : i32 to vector<16xi32>
      %eq3A_905 = arith.cmpi eq, %get3A_899, %eq3A_904 : vector<16xi32>
      %broadcast_in_dim3A_906 = arith.constant 0.000000e+00 : f32
      %broadcast_in_dim3A_907 = vector.broadcast %broadcast_in_dim3A_906 : f32 to vector<16xf32>
      %select_n3A_908 = arith.select %eq3A_905, %get3A_902, %broadcast_in_dim3A_907 : vector<16xi1>, vector<16xf32>
      %add3A_909 = arith.addf %broadcast_in_dim3A_896, %select_n3A_908 : vector<16xf32>
      %get3A_910 = arith.constant 32 : index
      %get3A_911 = tpu.vector_load %arg5[%get3A_910] {strides = array<i32>} : memref<64xi32, #tpu.memory_space<vmem>>, vector<16xi32>,
      %get3A_912 = vector.shape_cast %get3A_911 : vector<16xi32> to vector<16xi32>
      %get3A_913 = arith.constant 32 : index
      %get3A_914 = tpu.vector_load %arg6[%get3A_913] {strides = array<i32>} : memref<64xf32, #tpu.memory_space<vmem>>, vector<16xf32>,
      %get3A_915 = vector.shape_cast %get3A_914 : vector<16xf32> to vector<16xf32>
      %eq3A_916 = arith.constant 14 : i32
      %eq3A_917 = vector.broadcast %eq3A_916 : i32 to vector<16xi32>
      %eq3A_918 = arith.cmpi eq, %get3A_912, %eq3A_917 : vector<16xi32>
      %broadcast_in_dim3A_919 = arith.constant 0.000000e+00 : f32
      %broadcast_in_dim3A_920 = vector.broadcast %broadcast_in_dim3A_919 : f32 to vector<16xf32>
      %select_n3A_921 = arith.select %eq3A_918, %get3A_915, %broadcast_in_dim3A_920 : vector<16xi1>, vector<16xf32>
      %add3A_922 = arith.addf %add3A_909, %select_n3A_921 : vector<16xf32>
      %swap3A_923 = arith.constant 448 : index
      %swap3A_924 = tpu.vector_load %arg7[%swap3A_923] {strides = array<i32>} : memref<512xf32, #tpu.memory_space<vmem>>, vector<16xf32>,
      %swap3A_925 = vector.shape_cast %swap3A_924 : vector<16xf32> to vector<16xf32>
      %swap3A_926 = vector.shape_cast %add3A_922 : vector<16xf32> to vector<16xf32>
      tpu.vector_store %arg7[%swap3A_923], %swap3A_926 {strides = array<i32>} : memref<512xf32, #tpu.memory_space<vmem>>, vector<16xf32>,
      %broadcast_in_dim3A_927 = arith.constant 0.000000e+00 : f32
      %broadcast_in_dim3A_928 = vector.broadcast %broadcast_in_dim3A_927 : f32 to vector<16xf32>
      %get3A_929 = arith.constant 16 : index
      %get3A_930 = tpu.vector_load %arg5[%get3A_929] {strides = array<i32>} : memref<64xi32, #tpu.memory_space<vmem>>, vector<16xi32>,
      %get3A_931 = vector.shape_cast %get3A_930 : vector<16xi32> to vector<16xi32>
      %get3A_932 = arith.constant 16 : index
      %get3A_933 = tpu.vector_load %arg6[%get3A_932] {strides = array<i32>} : memref<64xf32, #tpu.memory_space<vmem>>, vector<16xf32>,
      %get3A_934 = vector.shape_cast %get3A_933 : vector<16xf32> to vector<16xf32>
      %eq3A_935 = arith.constant 14 : i32
      %eq3A_936 = vector.broadcast %eq3A_935 : i32 to vector<16xi32>
      %eq3A_937 = arith.cmpi eq, %get3A_931, %eq3A_936 : vector<16xi32>
      %broadcast_in_dim3A_938 = arith.constant 0.000000e+00 : f32
      %broadcast_in_dim3A_939 = vector.broadcast %broadcast_in_dim3A_938 : f32 to vector<16xf32>
      %select_n3A_940 = arith.select %eq3A_937, %get3A_934, %broadcast_in_dim3A_939 : vector<16xi1>, vector<16xf32>
      %add3A_941 = arith.addf %broadcast_in_dim3A_928, %select_n3A_940 : vector<16xf32>
      %get3A_942 = arith.constant 48 : index
      %get3A_943 = tpu.vector_load %arg5[%get3A_942] {strides = array<i32>} : memref<64xi32, #tpu.memory_space<vmem>>, vector<16xi32>,
      %get3A_944 = vector.shape_cast %get3A_943 : vector<16xi32> to vector<16xi32>
      %get3A_945 = arith.constant 48 : index
      %get3A_946 = tpu.vector_load %arg6[%get3A_945] {strides = array<i32>} : memref<64xf32, #tpu.memory_space<vmem>>, vector<16xf32>,
      %get3A_947 = vector.shape_cast %get3A_946 : vector<16xf32> to vector<16xf32>
      %eq3A_948 = arith.constant 14 : i32
      %eq3A_949 = vector.broadcast %eq3A_948 : i32 to vector<16xi32>
      %eq3A_950 = arith.cmpi eq, %get3A_944, %eq3A_949 : vector<16xi32>
      %broadcast_in_dim3A_951 = arith.constant 0.000000e+00 : f32
      %broadcast_in_dim3A_952 = vector.broadcast %broadcast_in_dim3A_951 : f32 to vector<16xf32>
      %select_n3A_953 = arith.select %eq3A_950, %get3A_947, %broadcast_in_dim3A_952 : vector<16xi1>, vector<16xf32>
      %add3A_954 = arith.addf %add3A_941, %select_n3A_953 : vector<16xf32>
      %swap3A_955 = arith.constant 464 : index
      %swap3A_956 = tpu.vector_load %arg7[%swap3A_955] {strides = array<i32>} : memref<512xf32, #tpu.memory_space<vmem>>, vector<16xf32>,
      %swap3A_957 = vector.shape_cast %swap3A_956 : vector<16xf32> to vector<16xf32>
      %swap3A_958 = vector.shape_cast %add3A_954 : vector<16xf32> to vector<16xf32>
      tpu.vector_store %arg7[%swap3A_955], %swap3A_958 {strides = array<i32>} : memref<512xf32, #tpu.memory_space<vmem>>, vector<16xf32>,
      %broadcast_in_dim3A_959 = arith.constant 0.000000e+00 : f32
      %broadcast_in_dim3A_960 = vector.broadcast %broadcast_in_dim3A_959 : f32 to vector<16xf32>
      %get3A_961 = arith.constant 0 : index
      %get3A_962 = tpu.vector_load %arg5[%get3A_961] {strides = array<i32>} : memref<64xi32, #tpu.memory_space<vmem>>, vector<16xi32>,
      %get3A_963 = vector.shape_cast %get3A_962 : vector<16xi32> to vector<16xi32>
      %get3A_964 = arith.constant 0 : index
      %get3A_965 = tpu.vector_load %arg6[%get3A_964] {strides = array<i32>} : memref<64xf32, #tpu.memory_space<vmem>>, vector<16xf32>,
      %get3A_966 = vector.shape_cast %get3A_965 : vector<16xf32> to vector<16xf32>
      %eq3A_967 = arith.constant 15 : i32
      %eq3A_968 = vector.broadcast %eq3A_967 : i32 to vector<16xi32>
      %eq3A_969 = arith.cmpi eq, %get3A_963, %eq3A_968 : vector<16xi32>
      %broadcast_in_dim3A_970 = arith.constant 0.000000e+00 : f32
      %broadcast_in_dim3A_971 = vector.broadcast %broadcast_in_dim3A_970 : f32 to vector<16xf32>
      %select_n3A_972 = arith.select %eq3A_969, %get3A_966, %broadcast_in_dim3A_971 : vector<16xi1>, vector<16xf32>
      %add3A_973 = arith.addf %broadcast_in_dim3A_960, %select_n3A_972 : vector<16xf32>
      %get3A_974 = arith.constant 32 : index
      %get3A_975 = tpu.vector_load %arg5[%get3A_974] {strides = array<i32>} : memref<64xi32, #tpu.memory_space<vmem>>, vector<16xi32>,
      %get3A_976 = vector.shape_cast %get3A_975 : vector<16xi32> to vector<16xi32>
      %get3A_977 = arith.constant 32 : index
      %get3A_978 = tpu.vector_load %arg6[%get3A_977] {strides = array<i32>} : memref<64xf32, #tpu.memory_space<vmem>>, vector<16xf32>,
      %get3A_979 = vector.shape_cast %get3A_978 : vector<16xf32> to vector<16xf32>
      %eq3A_980 = arith.constant 15 : i32
      %eq3A_981 = vector.broadcast %eq3A_980 : i32 to vector<16xi32>
      %eq3A_982 = arith.cmpi eq, %get3A_976, %eq3A_981 : vector<16xi32>
      %broadcast_in_dim3A_983 = arith.constant 0.000000e+00 : f32
      %broadcast_in_dim3A_984 = vector.broadcast %broadcast_in_dim3A_983 : f32 to vector<16xf32>
      %select_n3A_985 = arith.select %eq3A_982, %get3A_979, %broadcast_in_dim3A_984 : vector<16xi1>, vector<16xf32>
      %add3A_986 = arith.addf %add3A_973, %select_n3A_985 : vector<16xf32>
      %swap3A_987 = arith.constant 480 : index
      %swap3A_988 = tpu.vector_load %arg7[%swap3A_987] {strides = array<i32>} : memref<512xf32, #tpu.memory_space<vmem>>, vector<16xf32>,
      %swap3A_989 = vector.shape_cast %swap3A_988 : vector<16xf32> to vector<16xf32>
      %swap3A_990 = vector.shape_cast %add3A_986 : vector<16xf32> to vector<16xf32>
      tpu.vector_store %arg7[%swap3A_987], %swap3A_990 {strides = array<i32>} : memref<512xf32, #tpu.memory_space<vmem>>, vector<16xf32>,
      %broadcast_in_dim3A_991 = arith.constant 0.000000e+00 : f32
      %broadcast_in_dim3A_992 = vector.broadcast %broadcast_in_dim3A_991 : f32 to vector<16xf32>
      %get3A_993 = arith.constant 16 : index
      %get3A_994 = tpu.vector_load %arg5[%get3A_993] {strides = array<i32>} : memref<64xi32, #tpu.memory_space<vmem>>, vector<16xi32>,
      %get3A_995 = vector.shape_cast %get3A_994 : vector<16xi32> to vector<16xi32>
      %get3A_996 = arith.constant 16 : index
      %get3A_997 = tpu.vector_load %arg6[%get3A_996] {strides = array<i32>} : memref<64xf32, #tpu.memory_space<vmem>>, vector<16xf32>,
      %get3A_998 = vector.shape_cast %get3A_997 : vector<16xf32> to vector<16xf32>
      %eq3A_999 = arith.constant 15 : i32
      %eq3A_1000 = vector.broadcast %eq3A_999 : i32 to vector<16xi32>
      %eq3A_1001 = arith.cmpi eq, %get3A_995, %eq3A_1000 : vector<16xi32>
      %broadcast_in_dim3A_1002 = arith.constant 0.000000e+00 : f32
      %broadcast_in_dim3A_1003 = vector.broadcast %broadcast_in_dim3A_1002 : f32 to vector<16xf32>
      %select_n3A_1004 = arith.select %eq3A_1001, %get3A_998, %broadcast_in_dim3A_1003 : vector<16xi1>, vector<16xf32>
      %add3A_1005 = arith.addf %broadcast_in_dim3A_992, %select_n3A_1004 : vector<16xf32>
      %get3A_1006 = arith.constant 48 : index
      %get3A_1007 = tpu.vector_load %arg5[%get3A_1006] {strides = array<i32>} : memref<64xi32, #tpu.memory_space<vmem>>, vector<16xi32>,
      %get3A_1008 = vector.shape_cast %get3A_1007 : vector<16xi32> to vector<16xi32>
      %get3A_1009 = arith.constant 48 : index
      %get3A_1010 = tpu.vector_load %arg6[%get3A_1009] {strides = array<i32>} : memref<64xf32, #tpu.memory_space<vmem>>, vector<16xf32>,
      %get3A_1011 = vector.shape_cast %get3A_1010 : vector<16xf32> to vector<16xf32>
      %eq3A_1012 = arith.constant 15 : i32
      %eq3A_1013 = vector.broadcast %eq3A_1012 : i32 to vector<16xi32>
      %eq3A_1014 = arith.cmpi eq, %get3A_1008, %eq3A_1013 : vector<16xi32>
      %broadcast_in_dim3A_1015 = arith.constant 0.000000e+00 : f32
      %broadcast_in_dim3A_1016 = vector.broadcast %broadcast_in_dim3A_1015 : f32 to vector<16xf32>
      %select_n3A_1017 = arith.select %eq3A_1014, %get3A_1011, %broadcast_in_dim3A_1016 : vector<16xi1>, vector<16xf32>
      %add3A_1018 = arith.addf %add3A_1005, %select_n3A_1017 : vector<16xf32>
      %swap3A_1019 = arith.constant 496 : index
      %swap3A_1020 = tpu.vector_load %arg7[%swap3A_1019] {strides = array<i32>} : memref<512xf32, #tpu.memory_space<vmem>>, vector<16xf32>,
      %swap3A_1021 = vector.shape_cast %swap3A_1020 : vector<16xf32> to vector<16xf32>
      %swap3A_1022 = vector.shape_cast %add3A_1018 : vector<16xf32> to vector<16xf32>
      tpu.vector_store %arg7[%swap3A_1019], %swap3A_1022 {strides = array<i32>} : memref<512xf32, #tpu.memory_space<vmem>>, vector<16xf32>,
      "tpu.region"() ({
        %run_scoped3A = tpu.sem_alloc : memref<!tpu.dma_semaphore, #tpu.memory_space<semaphore_mem>>
        tpu.enqueue_dma source(%arg7 : memref<512xf32, #tpu.memory_space<vmem>>) target(%arg4 : memref<512xf32, #tpu.memory_space<hbm>>) target_semaphore(%run_scoped3A : memref<!tpu.dma_semaphore, #tpu.memory_space<semaphore_mem>>)
        tpu.wait_dma2 semaphore(%run_scoped3A : memref<!tpu.dma_semaphore, #tpu.memory_space<semaphore_mem>>) src(%arg7 : memref<512xf32, #tpu.memory_space<vmem>>) dst(%arg4 : memref<512xf32, #tpu.memory_space<hbm>>)
        tpu.yield
      }) : () -> ()
    } else {
    }
    return
  }
}

module attributes {stable_mosaic.version = 14 : i64} {
  func.func @_moe_body(%arg0: i32, %arg1: i32, %arg2: memref<1x1x32xf32, #tpu.memory_space<vmem>>, %arg3: memref<2048x32xf32, #tpu.memory_space<vmem>>, %arg4: memref<1x2x512x2048xf32, #tpu.memory_space<vmem>>, %arg5: memref<1x2048x512xf32, #tpu.memory_space<vmem>>, %arg6: memref<2048x32xf32, #tpu.memory_space<vmem>>) attributes {dimension_semantics = [#tpu.dimension_semantics<arbitrary>, #tpu.dimension_semantics<arbitrary>], iteration_bounds = array<i64: 16, 2>, scalar_prefetch = 0 : i64, scratch_operands = 0 : i64, tpu.core_type = #tpu.core_type<tc>, window_params = [{transform_indices = @transform_0, window_bounds = array<i64: 1, 1, 32>}, {pipeline_mode = #tpu.pipeline_mode<synchronous>, transform_indices = @transform_1, window_bounds = array<i64: 2048, 32>}, {transform_indices = @transform_2, window_bounds = array<i64: 1, 2, 512, 2048>}, {transform_indices = @transform_3, window_bounds = array<i64: 1, 2048, 512>}, {pipeline_mode = #tpu.pipeline_mode<synchronous>, transform_indices = @transform_4, window_bounds = array<i64: 2048, 32>}]} {
    %get3A = arith.constant 0 : index
    %get3A_0 = arith.constant 0 : index
    %get3A_1 = arith.constant 0 : index
    %get3A_2 = arith.constant 0 : index
    %get3A_3 = vector.load %arg4[%get3A, %get3A_0, %get3A_1, %get3A_2] : memref<1x2x512x2048xf32, #tpu.memory_space<vmem>>, vector<1x1x512x2048xf32>
    %get3A_4 = vector.shape_cast %get3A_3 : vector<1x1x512x2048xf32> to vector<512x2048xf32>
    %get3A_5 = arith.constant 0 : index
    %get3A_6 = arith.constant 1 : index
    %get3A_7 = arith.constant 0 : index
    %get3A_8 = arith.constant 0 : index
    %get3A_9 = vector.load %arg4[%get3A_5, %get3A_6, %get3A_7, %get3A_8] : memref<1x2x512x2048xf32, #tpu.memory_space<vmem>>, vector<1x1x512x2048xf32>
    %get3A_10 = vector.shape_cast %get3A_9 : vector<1x1x512x2048xf32> to vector<512x2048xf32>
    %get3A_11 = arith.constant 0 : index
    %get3A_12 = arith.constant 0 : index
    %get3A_13 = vector.load %arg3[%get3A_11, %get3A_12] : memref<2048x32xf32, #tpu.memory_space<vmem>>, vector<2048x32xf32>
    %dot_general3A = arith.constant dense<0.000000e+00> : vector<512x32xf32>
    %dot_general3A_14 = tpu.matmul %get3A_4, %get3A_13, %dot_general3A {dimension_numbers = #tpu.dot_dimension_numbers<[1], [0], [0], [1], [0, 0, 1, 1], [], []>, transpose_lhs_hint = false} : vector<512x2048xf32>, vector<2048x32xf32>, vector<512x32xf32> -> vector<512x32xf32>
    %dot_general3A_15 = arith.constant dense<0.000000e+00> : vector<512x32xf32>
    %dot_general3A_16 = tpu.matmul %get3A_10, %get3A_13, %dot_general3A_15 {dimension_numbers = #tpu.dot_dimension_numbers<[1], [0], [0], [1], [0, 0, 1, 1], [], []>, transpose_lhs_hint = false} : vector<512x2048xf32>, vector<2048x32xf32>, vector<512x32xf32> -> vector<512x32xf32>
    %neg3A = arith.constant 0.000000e+00 : f32
    %neg3A_17 = vector.broadcast %neg3A : f32 to vector<512x32xf32>
    %neg3A_18 = arith.subf %neg3A_17, %dot_general3A_14 : vector<512x32xf32>
    %exp3A = math.exp %neg3A_18 : vector<512x32xf32>
    %add3A = arith.constant 1.000000e+00 : f32
    %add3A_19 = vector.broadcast %add3A : f32 to vector<512x32xf32>
    %add3A_20 = arith.addf %add3A_19, %exp3A : vector<512x32xf32>
    %div3A = arith.divf %dot_general3A_14, %add3A_20 : vector<512x32xf32>
    %mul3A = arith.mulf %div3A, %dot_general3A_16 : vector<512x32xf32>
    %get3A_21 = arith.constant 0 : index
    %get3A_22 = arith.constant 0 : index
    %get3A_23 = arith.constant 0 : index
    %get3A_24 = vector.load %arg5[%get3A_21, %get3A_22, %get3A_23] : memref<1x2048x512xf32, #tpu.memory_space<vmem>>, vector<1x2048x512xf32>
    %get3A_25 = vector.shape_cast %get3A_24 : vector<1x2048x512xf32> to vector<2048x512xf32>
    %dot_general3A_26 = arith.constant dense<0.000000e+00> : vector<2048x32xf32>
    %dot_general3A_27 = tpu.matmul %get3A_25, %mul3A, %dot_general3A_26 {dimension_numbers = #tpu.dot_dimension_numbers<[1], [0], [0], [1], [0, 0, 1, 1], [], []>, transpose_lhs_hint = false} : vector<2048x512xf32>, vector<512x32xf32>, vector<2048x32xf32> -> vector<2048x32xf32>
    %get3A_28 = arith.constant 0 : index
    %get3A_29 = arith.constant 0 : index
    %get3A_30 = arith.constant 0 : index
    %get3A_31 = vector.load %arg2[%get3A_28, %get3A_29, %get3A_30] : memref<1x1x32xf32, #tpu.memory_space<vmem>>, vector<1x1x32xf32>
    %get3A_32 = vector.shape_cast %get3A_31 : vector<1x1x32xf32> to vector<1x32xf32>
    %mul3A_33 = vector.broadcast %get3A_32 : vector<1x32xf32> to vector<2048x32xf32>
    %mul3A_34 = arith.mulf %dot_general3A_27, %mul3A_33 : vector<2048x32xf32>
    %eq3A = arith.constant 0 : i32
    %eq3A_35 = arith.cmpi eq, %arg0, %eq3A : i32
    %eq3A_36 = arith.constant 0 : i32
    %eq3A_37 = arith.cmpi eq, %arg1, %eq3A_36 : i32
    %and3A = arith.andi %eq3A_35, %eq3A_37 : i1
    %convert_element_type3A = arith.extui %and3A : i1 to i32
    %cond3A = arith.constant 0 : i32
    %cond3A_38 = arith.cmpi ne, %convert_element_type3A, %cond3A : i32
    scf.if %cond3A_38 {
      %swap3A = arith.constant 0 : index
      %swap3A_45 = arith.constant 0 : index
      %swap3A_46 = vector.load %arg6[%swap3A, %swap3A_45] : memref<2048x32xf32, #tpu.memory_space<vmem>>, vector<2048x32xf32>
      tpu.vector_store %arg6[%swap3A, %swap3A_45], %mul3A_34 {strides = array<i32>} : memref<2048x32xf32, #tpu.memory_space<vmem>>, vector<2048x32xf32>,
    } else {
    }
    %gt3A = arith.constant 0 : i32
    %gt3A_39 = arith.cmpi sgt, %arg0, %gt3A : i32
    %gt3A_40 = arith.constant 0 : i32
    %gt3A_41 = arith.cmpi sgt, %arg1, %gt3A_40 : i32
    %or3A = arith.ori %gt3A_39, %gt3A_41 : i1
    %convert_element_type3A_42 = arith.extui %or3A : i1 to i32
    %cond3A_43 = arith.constant 0 : i32
    %cond3A_44 = arith.cmpi ne, %convert_element_type3A_42, %cond3A_43 : i32
    scf.if %cond3A_44 {
      %get3A_45 = arith.constant 0 : index
      %get3A_46 = arith.constant 0 : index
      %get3A_47 = vector.load %arg6[%get3A_45, %get3A_46] : memref<2048x32xf32, #tpu.memory_space<vmem>>, vector<2048x32xf32>
      %add3A_48 = arith.addf %get3A_47, %mul3A_34 : vector<2048x32xf32>
      %swap3A = arith.constant 0 : index
      %swap3A_49 = arith.constant 0 : index
      %swap3A_50 = vector.load %arg6[%swap3A, %swap3A_49] : memref<2048x32xf32, #tpu.memory_space<vmem>>, vector<2048x32xf32>
      tpu.vector_store %arg6[%swap3A, %swap3A_49], %add3A_48 {strides = array<i32>} : memref<2048x32xf32, #tpu.memory_space<vmem>>, vector<2048x32xf32>,
    } else {
    }
    return
  }
  func.func @transform_0(%arg0: i32, %arg1: i32) -> (i32, i32, i32) {
    %c0_i32 = arith.constant 0 : i32
    %c0_i32_0 = arith.constant 0 : i32
    %c0_i32_1 = arith.constant 0 : i32
    return %arg0, %c0_i32, %c0_i32_0 : i32, i32, i32
  }
  func.func @transform_1(%arg0: i32, %arg1: i32) -> (i32, i32) {
    %c0_i32 = arith.constant 0 : i32
    %c0_i32_0 = arith.constant 0 : i32
    %c0_i32_1 = arith.constant 0 : i32
    return %c0_i32, %c0_i32_0 : i32, i32
  }
  func.func @transform_2(%arg0: i32, %arg1: i32) -> (i32, i32, i32, i32) {
    %c0_i32 = arith.constant 0 : i32
    %c0_i32_0 = arith.constant 0 : i32
    %c0_i32_1 = arith.constant 0 : i32
    return %arg0, %c0_i32, %arg1, %c0_i32_0 : i32, i32, i32, i32
  }
  func.func @transform_3(%arg0: i32, %arg1: i32) -> (i32, i32, i32) {
    %c0_i32 = arith.constant 0 : i32
    %c0_i32_0 = arith.constant 0 : i32
    return %arg0, %c0_i32, %arg1 : i32, i32, i32
  }
  func.func @transform_4(%arg0: i32, %arg1: i32) -> (i32, i32) {
    %c0_i32 = arith.constant 0 : i32
    %c0_i32_0 = arith.constant 0 : i32
    %c0_i32_1 = arith.constant 0 : i32
    return %c0_i32, %c0_i32_0 : i32, i32
  }
}

</mosaic_0001>

<sc_bundles>
// kernel: kernel.4.cloned.1.call-start
scs
__scs_entry_jumppad:
0x0: {  	(pc) =	sbr.rel $0x88, $3  }
0x1: {  	(tag) =	ssettag $0x0;
	lr =	simm.s32 $0x1  }
0x2: {  	[smem:$0x3F9C] =	sst lr;
	_ =	strace $0xD0000000  }
0x3: {  	_ = 	snop  }
0x4: {  	_ = 	snop  }
0x5: {  	_ = 	snop  }
0x6: {  	_ = 	snop  }
0x7: {  	_ = 	snop  }
__scs_overlays_trampoline_lowered:
0x8: {  	[smem:$0x3FAB] =	sst s0  }
0x9: {  	[smem:$0x3FAC] =	sst s1  }
0xa: {  	[smem:$0x3FAD] =	sst s2  }
0xb: {  	[smem:$0x3FAE] =	sst s3  }
0xc: {  	[smem:$0x3FAF] =	sst s4  }
0xd: {  	[smem:$0x3FB0] =	sst s5  }
0xe: {  	[smem:$0x3FB1] =	sst s6  }
0xf: {  	[smem:$0x3FB2] =	sst s7  }
0x10: {  	[smem:$0x3FB3] =	sst s8  }
0x11: {  	[smem:$0x3FB4] =	sst s9;
	s0 =	simm.s32 @!p0 $0x0  }
0x12: {  	s1 =	sld [smem:$0x3F9A];
	s0 =	simm.s32 @p0 $0x1  }
0x13: {  	[smem:$0x3FB5] =	sst s0;
	s0 =	simm.s32 @!p1 $0x0  }
0x14: {  	s2 =	sld [smem:$0x3F99];
	s0 =	simm.s32 @p1 $0x1  }
0x15: {  	[smem:$0x3FB6] =	sst s0;
	s0 =	simm.s32 @!p2 $0x0  }
0x16: {  	s3 =	sld [smem:$0x3FDB];
	s0 =	simm.s32 @p2 $0x1  }
0x17: {  	s4 =	simm.s32 $0x1BF5;
	[smem:$0x3FB8] =	sst s0  }
0x18: {  	s0 =	sld [smem:$0x3F9B];
	_ =	swait.ge [sflag:s4], $0x0  }
0x19: {  	s7 =	sld [smem:$0x3F9C]  }
0x1a: {  	s8 =	sadd.s32 $0xFFFFE003, lr  }
0x1b: {  	s9 =	sadd.s32 $0xFFFFFEF7, lr;
	s5 =	simm.s32 $0xFFFFFFFF;
	p2 =	slt.u32 s8, $0xFFFFF086  }
0x1c: {  	p1 =	slt.u32 s9, $0xF7A;
	s5 =	simm.s32 @!p2 $0x0  }
0x1d: {  	s5 =	simm.s32 @p1 $0x1;
	p0 =	seq.s32 s7, s2  }
0x1e: {  	s7 =	smul.u32 @!p0 $0xF7A, s2;
	p2 =	seq.s32 @!p0 s5, $0x0  }
0x1f: {  	s9 =	smul.u32 $0xF7A, s1;
	s8 =	simm.s32 @!p0 $0x1BF5;
	p2 =	por !p2, p0  }
0x20: {  	[sflag:s8] =	ssyncset.s32 @!p0 $0xFFFFF086;
	s6 =	sadd.s32 @!p0 s3, s7;
	s7 =	simm.s32 @!p0 $0x108  }
0x21: {  	s3 =	sadd.s32 s3, s9;
	s6 =	sadd.s32 @!p0 $0x88, s6;
	s7 =	simm.s32 @p2 $0x1082  }
0x22: {  	[simem:s7], [sflag:s8] =	dma.local @!p0 [hbm:s6], $0xF7A  }
0x23: {  	s9 =	sor.u32 $0xD0000000, s2;
	s6 =	simm.s32 $0x108;
	_ =	swait.ge @!p0 [sflag:s8], $0x0  }
0x24: {  	s3 =	sadd.s32 $0x88, s3;
	s6 =	simm.s32 @!p1 $0x1082;
	[sflag:s4] =	ssyncset.s32 $0xFFFFF086  }
0x25: {  	[simem:s6], [sflag:s4] =	dma.local [hbm:s3], $0xF7A  }
0x26: {  	[smem:$0x3F9C] =	sst s1;
	(tag) =	ssettag s2;
	_ =	strace s9  }
0x27: {  	s1 =	sld [smem:$0x3FAC]  }
0x28: {  	s2 =	sld [smem:$0x3FAD]  }
0x29: {  	s4 =	sld [smem:$0x3FAF]  }
0x2a: {  	p0 =	seq.s32 s5, $0x0;
	s5 =	sld [smem:$0x3FB0]  }
0x2b: {  	s6 =	sld [smem:$0x3FB1]  }
0x2c: {  	s7 =	sld [smem:$0x3FB2]  }
0x2d: {  	s3 =	simm.s32 $0x108;
	s8 =	sld [smem:$0x3FB3]  }
0x2e: {  	s3 =	simm.s32 @!p0 $0x1082;
	s9 =	sld [smem:$0x3FB4]  }
0x2f: {  	lr =	sadd.s32 s0, s3;
	s0 =	sld [smem:$0x3FAB]  }
0x30: {  	s3 =	sld [smem:$0x3FAE]  }
0x31: {  	[smem:$0x3FB7] =	sst s10  }
0x32: {  	s10 =	sld [smem:$0x3FB5];
	_ =	sdelay $0x3  }
0x33: {  	p0 =	seq.s32 s10, $0x1;
	s10 =	sld [smem:$0x3FB7];
	_ =	sdelay $0x3  }
0x34: {  	[smem:$0x3FB7] =	sst s10  }
0x35: {  	s10 =	sld [smem:$0x3FB6];
	_ =	sdelay $0x3  }
0x36: {  	p1 =	seq.s32 s10, $0x1;
	s10 =	sld [smem:$0x3FB7];
	_ =	sdelay $0x3  }
0x37: {  	[smem:$0x3FB7] =	sst s10  }
0x38: {  	s10 =	sld [smem:$0x3FB8]  }
0x39: {  	_ = 	snop;
	(pc) =	sbr.ind lr, $3  }
0x3a: {  	_ = 	snop  }
0x3b: {  	_ = 	snop  }
0x3c: {  	p2 =	seq.s32 s10, $0x1;
	s10 =	sld [smem:$0x3FB7]  }
0x3d: {  	_ =	shalt  }
0x3e: {  	_ =	shalt  }
0x3f: {  	_ =	shalt  }
0x40: {  	_ =	shalt  }
0x41: {  	_ =	shalt  }
0x42: {  	_ =	shalt  }
0x43: {  	_ =	shalt  }
0x44: {  	_ =	shalt  }
0x45: {  	_ =	shalt  }
0x46: {  	_ =	shalt  }
0x47: {  	_ =	shalt  }
0x48: {  	_ =	shalt  }
0x49: {  	_ =	shalt  }
0x4a: {  	_ =	shalt  }
0x4b: {  	_ =	shalt  }
0x4c: {  	_ =	shalt  }
0x4d: {  	_ =	shalt  }
0x4e: {  	_ =	shalt  }
0x4f: {  	_ =	shalt  }
0x50: {  	_ =	shalt  }
0x51: {  	_ =	shalt  }
0x52: {  	_ =	shalt  }
0x53: {  	_ =	shalt  }
0x54: {  	_ =	shalt  }
0x55: {  	_ =	shalt  }
0x56: {  	_ =	shalt  }
0x57: {  	_ =	shalt  }
0x58: {  	_ =	shalt  }
0x59: {  	_ =	shalt  }
0x5a: {  	_ =	shalt  }
0x5b: {  	_ =	shalt  }
0x5c: {  	_ =	shalt  }
0x5d: {  	_ =	shalt  }
0x5e: {  	_ =	shalt  }
0x5f: {  	_ =	shalt  }
0x60: {  	_ =	shalt  }
0x61: {  	_ =	shalt  }
0x62: {  	_ =	shalt  }
0x63: {  	_ =	shalt  }
0x64: {  	_ =	shalt  }
0x65: {  	_ =	shalt  }
0x66: {  	_ =	shalt  }
0x67: {  	_ =	shalt  }
0x68: {  	_ =	shalt  }
0x69: {  	_ =	shalt  }
0x6a: {  	_ =	shalt  }
0x6b: {  	_ =	shalt  }
0x6c: {  	_ =	shalt  }
0x6d: {  	_ =	shalt  }
0x6e: {  	_ =	shalt  }
0x6f: {  	_ =	shalt  }
0x70: {  	_ =	shalt  }
0x71: {  	_ =	shalt  }
0x72: {  	_ =	shalt  }
0x73: {  	_ =	shalt  }
0x74: {  	_ =	shalt  }
0x75: {  	_ =	shalt  }
0x76: {  	_ =	shalt  }
0x77: {  	_ =	shalt  }
0x78: {  	_ =	shalt  }
0x79: {  	_ =	shalt  }
0x7a: {  	_ =	shalt  }
0x7b: {  	_ =	shalt  }
0x7c: {  	_ =	shalt  }
0x7d: {  	_ =	shalt  }
0x7e: {  	_ =	shalt  }
0x7f: {  	_ =	shalt  }
0x80: {  	_ =	shalt  }
0x81: {  	_ =	shalt  }
0x82: {  	_ =	shalt  }
0x83: {  	_ =	shalt  }
0x84: {  	_ =	shalt  }
0x85: {  	_ =	shalt  }
0x86: {  	_ =	shalt  }
0x87: {  	_ =	shalt  }
.Lfunc_end0:
.L_simem_size_0:
called_computation_lowered:
.L_overlay_start_0:
0x88: {  	s2 =	sld [smem:$0x3FD9]  }
0x89: {  	s3 =	sld [smem:$0x3FFE];
	_ =	sdelay $0x1  }
0x8a: {  	s1 =	srdreg.scid  }
0x8b: {  	s0 =	sand.u32 $0x1, s1  }
0x8c: {  	s17 =	sshll.u32 s0, $0xA;
	s2 =	sadd.s32 s3, s2  }
0x8d: {  	s2 =	sadd.s32 s2, s17  }
0x8e: {  	[smem:$0x3FC3] =	sst s2  }
0x8f: {  	_ = 	snop  }
0x90: {  	s2 =	sld [smem:$0x3FD0];
	(tm) =	ssettm $0x1  }
0x91: {  	s18 =	sld [smem:$0x3FFB];
	_ =	sdelay $0x3  }
0x92: {  	_ =	strace s18  }
0x93: {  	s3 =	sld [smem:$0x3FFC];
	_ =	sdelay $0x3  }
0x94: {  	_ =	strace s3  }
0x95: {  	s3 =	sld [smem:$0x3FFD];
	_ =	sdelay $0x3  }
0x96: {  	_ =	strace s3  }
0x97: {  	_ =	strace $0x8FFFFFFF  }
0x98: {  	s19 =	sld [smem:$0x3FDB];
	_ =	sdelay $0x1  }
0x99: {  	s4 =	simm.s32 $_scs_section_size  }
0x9a: {  	s5 =	simm.s32 $_size__tile_overlayer_lowered;
	s6 =	simm.s32 $_tile_overlayer_lowered  }
0x9b: {  	s22 =	simm.s32 $0x1BFF;
	s21 =	sshll.u32 s6, $0x1;
	s3 =	sadd.s32 s4, s19  }
0x9c: {  	s7 =	simm.s32 $0x0;
	s20 =	sshll.u32 s5, $0x1;
	s5 =	sadd.s32 s21, s3  }
0x9d: {  	[timem:s7], [sflag:s22] =	dma.local [hbm:s5], s20  }
0x9e: {  	_ =	swait.ge [sflag:s22], s20  }
0x9f: {  	s4 =	ssub.s32 $0x0, s20;
	[sflag:s22] =	ssyncset.done $0x0  }
0xa0: {  	[sflag:s22] =	ssyncadd.s32 s4;
	_ =	sdelay $0x1  }
0xa1: {  	s23 =	simm.s32 $0x1B8B  }
0xa2: {  	_ =	swait.ge [sflag:s23], $0x1  }
0xa3: {  	[sflag:s23] =	ssyncset.done $0x0  }
0xa4: {  	s25 =	simm.s32 $0x1B8E;
	s24 =	sld [smem:$0x3FFE];
	[sflag:s23] =	ssyncadd.s32 $0xFFFFFFFF  }
0xa5: {  	s26 =	simm.s32 $execute0_lowered;
	[smem:$0x3FD2] =	sst s25  }
0xa6: {  	s5 =	sshll.u32 s26, $0x1;
	_ =	strace $0x80000046;
	[dreg:$0x1] =	wrdreg $0xFFFFFFFF  }
0xa7: {  	s28 =	simm.s32 $_size_execute0_lowered;
	s3 =	sadd.s32 s3, s5;
	[dreg:$0x0] =	wrdreg $0x0  }
0xa8: {  	s5 =	sshll.u32 s28, $0x1;
	[dreg:$0x2] =	wrdreg s3  }
0xa9: {  	[dreg:$0x3] =	wrdreg s5  }
0xaa: {  	[dreg:$0x4] =	wrdreg $0xC0  }
0xab: {  	_ =	task [dreg:s7], $0x5FFFF  }
0xac: {  	[dreg:$0x1] =	wrdreg $0xFFFFFFFF  }
0xad: {  	[dreg:$0x0] =	wrdreg $0x60  }
0xae: {  	[dreg:$0x2] =	wrdreg s24  }
0xaf: {  	[dreg:$0x3] =	wrdreg s2  }
0xb0: {  	[dreg:$0x4] =	wrdreg $0x9  }
0xb1: {  	_ =	task.clear_ibuf [dreg:s7], $0x5FFFF;
	_ =	strace $0x90000046  }
0xb2: {  	s29 =	simm.s32 $0x9;
	_ =	strace $0x80000048  }
0xb3: {  	_ =	swait.ge [sflag:s29], $0x1  }
0xb4: {  	[sflag:s29] =	ssyncadd.s32 $0xFFFFFFFF  }
0xb5: {  	_ =	strace $0x90000048  }
0xb6: {  	_ =	sfence  }
0xb7: {  	s30 =	sld [smem:$0x0];
	_ =	sdelay $0x2  }
0xb8: {  	s31 =	sshll.u32 s1, $0xD;
	s1 =	sshrl.u32 s1, $0x2  }
0xb9: {  	s3 =	sand.u32 $0x4000, s31;
	s1 =	sadd.s32 s1, s30  }
0xba: {  	s0 =	sor.u32 s3, s0;
	s1 =	sshll.u32 s1, $0x11  }
0xbb: {  	s0 =	sor.u32 s1, s0  }
0xbc: {  	s0 =	sadd.s32 $0x8F2B, s0  }
0xbd: {  	[sflag:s0] =	ssyncadd.remote.s32 $0x1  }
0xbe: {  	_ =	sfence.sel $0xFFFF  }
0xbf: {  	[dreg:$0x0] =	wrdreg $0xFFFFFFFF;
	(pc) =	sbr.abs _section_cstart, $3  }
0xc0: {  	[dreg:$0x1] =	wrdreg $0xFFFFFFFF  }
0xc1: {  	_ =	task.clear_ibuf [dreg:s7], $0x2FFFF;
	_ =	strace $0x9FFFFFFF  }
0xc2: {  	(tm) =	ssettm $0x7FFFFFFF  }
0xc3: {  	_ =	shalt  }
tec
execute0_lowered:
.L_overlay_start_1:
0x0: {  	(tag) =	ssettag $0x1  }
0x1: {  	s0 =	srdreg.scid  }
0x2: {  	s3 =	sand.u32 $0x1, s0;
	s0 =	stileid.u32  }
0x3: {  	s5 =	sor.u32 s0, s3  }
0x4: {  	p0 =	sne.s32 s5, $0x0  }
.Ltmp0:
0x5: {  	_ = 	snop;
	(pc) =	sbr.rel @p0 .LBB2_3-.Ltmp0, $4  }
0x6: {  	_ = 	snop  }
0x7: {  	s4 =	rddreg [dreg:$0x0]  }
0x8: {  	s2 =	rddreg [dreg:$0x1]  }
0x9: {  	s1 =	rddreg [dreg:$0x2];
	_ =	strace $0x80000047  }
0xa: {  	s5 =	ssub.s32 $0x2, s3;
	s3 =	sadd.s32 $0x600, s4;
	s4 =	sadd.s32 $0x400, s4  }
0xb: {  	s7 =	simm.s32 $0x1;
	s8 =	simm.s32 $0x80;
	s6 =	sshrl.u32 s5, $0x1  }
0xc: {  	s9 =	simm.s32 $0x100;
	s5 =	ssub.s32 s5, s6;
	s6 =	simm.s32 $0x0  }
.LBB2_2:
0xd: {  	[tilespmem:s6], [sflag:$0x1] =	stream.linear.gather [hbm4b:s3+s6], $0x80, $0x38;
	[tilespmem:$0x300] =	vst v63  }
0xe: {  	_ =	swait.ge [sflag:s7], $0x80  }
0xf: {  	[sflag:s7] =	ssyncset.done $0x0  }
0x10: {  	[sflag:s7] =	ssyncadd.s32 $0xFFFFFF80  }
0x11: {  	[tilespmem:s8], [sflag:$0x1] =	stream.linear.gather [hbm4b:s4+s6], $0x80, $0x38;
	[tilespmem:$0x300] =	vst v63  }
0x12: {  	_ =	swait.ge [sflag:s7], $0x80  }
0x13: {  	[sflag:s7] =	ssyncset.done $0x0  }
0x14: {  	[sflag:s7] =	ssyncadd.s32 $0xFFFFFF80  }
0x15: {  	v4 =	vld [tilespmem:$0x0]  }
0x16: {  	v5 =	vld [tilespmem:$0x80]  }
0x17: {  	v6 =	vld [tilespmem:$0x20]  }
0x18: {  	v7 =	vld [tilespmem:$0xA0]  }
0x19: {  	v9 =	vld [tilespmem:$0x10]  }
0x1a: {  	v10 =	vld [tilespmem:$0x90]  }
0x1b: {  	v14 =	vld [tilespmem:$0x30]  }
0x1c: {  	v15 =	vld [tilespmem:$0xB0]  }
0x1d: {  	v16 =	vld [tilespmem:$0x0]  }
0x1e: {  	v17 =	vld [tilespmem:$0x80]  }
0x1f: {  	v18 =	vld [tilespmem:$0x20]  }
0x20: {  	v19 =	vld [tilespmem:$0xA0]  }
0x21: {  	v20 =	vld [tilespmem:$0x10]  }
0x22: {  	v21 =	vld [tilespmem:$0x90]  }
0x23: {  	v22 =	vld [tilespmem:$0x30]  }
0x24: {  	v23 =	vld [tilespmem:$0xB0]  }
0x25: {  	v24 =	vld [tilespmem:$0x0]  }
0x26: {  	v25 =	vld [tilespmem:$0x80]  }
0x27: {  	v26 =	vld [tilespmem:$0x20]  }
0x28: {  	v27 =	vld [tilespmem:$0xA0]  }
0x29: {  	v28 =	vld [tilespmem:$0x10]  }
0x2a: {  	v29 =	vld [tilespmem:$0x90]  }
0x2b: {  	v30 =	vld [tilespmem:$0x30]  }
0x2c: {  	v31 =	vld [tilespmem:$0xB0]  }
0x2d: {  	v32 =	vld [tilespmem:$0x0]  }
0x2e: {  	v33 =	vld [tilespmem:$0x80]  }
0x2f: {  	v34 =	vld [tilespmem:$0x20]  }
0x30: {  	v35 =	vld [tilespmem:$0xA0]  }
0x31: {  	v36 =	vld [tilespmem:$0x10]  }
0x32: {  	v37 =	vld [tilespmem:$0x90]  }
0x33: {  	v38 =	vld [tilespmem:$0x30]  }
0x34: {  	v39 =	vld [tilespmem:$0xB0]  }
0x35: {  	v40 =	vld [tilespmem:$0x0]  }
0x36: {  	v41 =	vld [tilespmem:$0x80]  }
0x37: {  	v42 =	vld [tilespmem:$0x20]  }
0x38: {  	v43 =	vld [tilespmem:$0xA0]  }
0x39: {  	v44 =	vld [tilespmem:$0x10]  }
0x3a: {  	v45 =	vld [tilespmem:$0x90]  }
0x3b: {  	v46 =	vld [tilespmem:$0x30]  }
0x3c: {  	v47 =	vld [tilespmem:$0xB0]  }
0x3d: {  	v48 =	vld [tilespmem:$0x0]  }
0x3e: {  	v49 =	vld [tilespmem:$0x80]  }
0x3f: {  	v50 =	vld [tilespmem:$0x20]  }
0x40: {  	v51 =	vld [tilespmem:$0xA0]  }
0x41: {  	v52 =	vld [tilespmem:$0x10]  }
0x42: {  	v53 =	vld [tilespmem:$0x90]  }
0x43: {  	v54 =	vld [tilespmem:$0x30]  }
0x44: {  	v55 =	vld [tilespmem:$0xB0]  }
0x45: {  	v56 =	vld [tilespmem:$0x0]  }
0x46: {  	v57 =	vld [tilespmem:$0x80]  }
0x47: {  	v58 =	vld [tilespmem:$0x20]  }
0x48: {  	v59 =	vld [tilespmem:$0xA0]  }
0x49: {  	v60 =	vld [tilespmem:$0x10]  }
0x4a: {  	v61 =	vld [tilespmem:$0x90]  }
0x4b: {  	v62 =	vld [tilespmem:$0x30]  }
0x4c: {  	v63 =	vld [tilespmem:$0xB0]  }
0x4d: {  	v2 =	vld [tilespmem:$0x0]  }
0x4e: {  	v0 =	vld [tilespmem:$0x80]  }
0x4f: {  	v3 =	vld [tilespmem:$0x20]  }
0x50: {  	v1 =	vld [tilespmem:$0xA0]  }
0x51: {  	v13 =	vld [tilespmem:$0x0]  }
0x52: {  	v11 =	vld [tilespmem:$0xB0]  }
0x53: {  	v12 =	vld [tilespmem:$0x10]  }
0x54: {  	v8 =	vld [tilespmem:$0x30]  }
0x55: {  	[tilespmem:$0x1FFA0] =	vst v1;
	v1 =	vld [tilespmem:$0x90]  }
0x56: {  	[tilespmem:$0x1FFC0] =	vst v13;
	v13 =	vld [tilespmem:$0x80]  }
0x57: {  	[tilespmem:$0x1FFB0] =	vst v11;
	v11 =	vld [tilespmem:$0x20]  }
0x58: {  	vm0 =	veq.s32 v4, $0x0;
	v4 =	vadd.f32 $0.0e+00, v5;
	v5 =	vld [tilespmem:$0x90]  }
0x59: {  	vm1 =	veq.s32 v6, $0x0;
	v6 =	vld [tilespmem:$0x30]  }
0x5a: {  	vm14 =	veq.s32 v16, $0x1;
	v16 =	vld [tilespmem:$0x80]  }
0x5b: {  	vm6 =	veq.s32 v20, $0x1;
	v20 =	vld [tilespmem:$0x10]  }
0x5c: {  	vm10 =	veq.s32 v28, $0x2;
	v28 =	vld [tilespmem:$0x0]  }
0x5d: {  	vm11 =	veq.s32 v30, $0x2;
	v30 =	vld [tilespmem:$0x90]  }
0x5e: {  	vm2 =	veq.s32 v9, $0x0;
	v9 =	vadd.f32 $0.0e+00, v10;
	vm4 =	veq.s32 v40, $0x4;
	v40 =	vld [tilespmem:$0x0]  }
0x5f: {  	vm3 =	veq.s32 v14, $0x0;
	v21 =	vadd.f32 $0.0e+00, v21;
	v14 =	vnsel vm1, $0x0, v7;
	v7 =	vld [tilespmem:$0xB0]  }
0x60: {  	vm8 =	veq.s32 v24, $0x2;
	vm13 =	veq.s32 v34, $0x3;
	v10 =	vnsel vm3, $0x0, v15;
	v15 =	vld [tilespmem:$0x0]  }
0x61: {  	v34 =	vadd.f32 $0.0e+00, v37;
	vm5 =	veq.s32 v42, $0x4;
	v37 =	vnsel vm13, $0x0, v35;
	v35 =	vld [tilespmem:$0x30]  }
0x62: {  	vm9 =	veq.s32 v26, $0x2;
	v42 =	vadd.f32 $0.0e+00, v45;
	v45 =	vnsel vm5, $0x0, v43;
	v43 =	vld [tilespmem:$0xA0]  }
0x63: {  	v24 =	vnsel vm9, $0x0, v27;
	vm9 =	veq.s32 v50, $0x5;
	vm5 =	veq.s32 v3, $0x7;
	v3 =	vld [tilespmem:$0x20]  }
0x64: {  	v50 =	vadd.f32 $0.0e+00, v53;
	v4 =	vnsel vm0, $0x0, v4;
	v53 =	vnsel vm9, $0x0, v51;
	v51 =	vld [tilespmem:$0x0]  }
0x65: {  	v9 =	vnsel vm2, $0x0, v9;
	v4 =	vadd.f32 v14, v4;
	v14 =	vld [tilespmem:$0x20]  }
0x66: {  	v10 =	vadd.f32 v10, v9;
	v9 =	vadd.f32 $0.0e+00, v17;
	v17 =	vnsel vm6, $0x0, v21;
	v21 =	vld [tilespmem:$0x90]  }
0x67: {  	vm15 =	veq.s32 v18, $0x1;
	[tilespmem:$0x1FFD0] =	vst v11;
	v11 =	vld [tilespmem:$0xA0]  }
0x68: {  	vm7 =	veq.s32 v22, $0x1;
	v25 =	vadd.f32 $0.0e+00, v25;
	v22 =	vnsel vm14, $0x0, v9;
	v9 =	vld [tilespmem:$0xA0]  }
0x69: {  	v29 =	vadd.f32 $0.0e+00, v29;
	v19 =	vnsel vm15, $0x0, v19;
	vm14 =	veq.s32 v36, $0x3;
	v36 =	vld [tilespmem:$0x80]  }
0x6a: {  	v18 =	vadd.f32 v19, v22;
	v19 =	vnsel vm8, $0x0, v25;
	v25 =	vld [tilespmem:$0xB0]  }
0x6b: {  	v22 =	vnsel vm10, $0x0, v29;
	v29 =	vld [tilespmem:$0x20]  }
0x6c: {  	v27 =	vnsel vm14, $0x0, v34;
	v34 =	vld [tilespmem:$0x10]  }
0x6d: {  	vm8 =	veq.s32 v48, $0x5;
	v48 =	vld [tilespmem:$0x10]  }
0x6e: {  	[tilespmem:$0x1FFF0] =	vst v11;
	v11 =	vld [tilespmem:$0x10]  }
0x6f: {  	vm13 =	veq.s32 v58, $0x6;
	v19 =	vadd.f32 v24, v19;
	v24 =	vld [tilespmem:$0x80]  }
0x70: {  	v58 =	vadd.f32 $0.0e+00, v61;
	v61 =	vnsel vm13, $0x0, v59;
	vm13 =	veq.s32 v14, $0x9;
	v14 =	vld [tilespmem:$0x20]  }
0x71: {  	v33 =	vadd.f32 $0.0e+00, v33;
	vm12 =	veq.s32 v32, $0x3;
	v41 =	vadd.f32 $0.0e+00, v41;
	[tilespmem:$0x140] =	vst v19;
	v19 =	vld [tilespmem:$0x10]  }
0x72: {  	v0 =	vadd.f32 $0.0e+00, v0;
	vm15 =	veq.s32 v38, $0x3;
	vm14 =	veq.s32 v60, $0x6;
	v60 =	vld [tilespmem:$0x1FFF0]  }
0x73: {  	v39 =	vnsel vm15, $0x0, v39;
	vm15 =	veq.s32 v62, $0x6;
	[tilespmem:$0x1FFE0] =	vst v11;
	v11 =	vnsel vm7, $0x0, v23;
	v23 =	vld [tilespmem:$0x30]  }
0x74: {  	vm7 =	veq.s32 v46, $0x4;
	v17 =	vadd.f32 v11, v17;
	v11 =	vnsel vm11, $0x0, v31;
	v31 =	vld [tilespmem:$0xA0]  }
0x75: {  	v1 =	vadd.f32 $0.0e+00, v1;
	v46 =	vnsel vm7, $0x0, v47;
	vm7 =	veq.s32 v8, $0x7;
	v8 =	vld [tilespmem:$0xA0]  }
0x76: {  	vm6 =	veq.s32 v44, $0x4;
	v13 =	vadd.f32 $0.0e+00, v13;
	v5 =	vadd.f32 $0.0e+00, v5;
	v59 =	vld [tilespmem:$0x1FFE0]  }
0x77: {  	v22 =	vadd.f32 v11, v22;
	v11 =	vnsel vm12, $0x0, v33;
	v33 =	vnsel vm6, $0x0, v42;
	v42 =	vld [tilespmem:$0x90]  }
0x78: {  	v30 =	vadd.f32 $0.0e+00, v30;
	vm11 =	veq.s32 v54, $0x5;
	vm12 =	veq.s32 v56, $0x6;
	v56 =	vld [tilespmem:$0x1FFC0]  }
0x79: {  	vm10 =	veq.s32 v52, $0x5;
	v54 =	vnsel vm11, $0x0, v55;
	vm11 =	veq.s32 v6, $0x8;
	v6 =	vld [tilespmem:$0xB0]  }
0x7a: {  	v27 =	vadd.f32 v39, v27;
	v39 =	vnsel vm10, $0x0, v50;
	v26 =	vadd.f32 v37, v11;
	v37 =	vld [tilespmem:$0xB0]  }
0x7b: {  	v21 =	vadd.f32 $0.0e+00, v21;
	v47 =	vadd.f32 $0.0e+00, v49;
	v11 =	vnsel vm4, $0x0, v41;
	v41 =	vld [tilespmem:$0x20]  }
0x7c: {  	v9 =	vnsel vm13, $0x0, v9;
	vm13 =	veq.s32 v3, $0xC;
	v33 =	vadd.f32 v46, v33;
	v46 =	vld [tilespmem:$0x10]  }
0x7d: {  	v55 =	vadd.f32 $0.0e+00, v57;
	vm6 =	veq.s32 v12, $0x7;
	v49 =	vnsel vm8, $0x0, v47;
	v47 =	vld [tilespmem:$0x30]  }
0x7e: {  	v39 =	vadd.f32 v54, v39;
	vm4 =	veq.s32 v2, $0x7;
	v2 =	vld [tilespmem:$0x80];
	v1 =	vnsel vm6, $0x0, v1  }
0x7f: {  	v54 =	vld [tilespmem:$0x1FFA0];
	v62 =	vnsel vm11, $0x0, v7;
	vm6 =	veq.s32 v34, $0xA;
	v32 =	vadd.f32 v45, v11  }
0x80: {  	v34 =	vld [tilespmem:$0x90];
	v38 =	vadd.f32 v53, v49;
	v57 =	vnsel vm12, $0x0, v55;
	v45 =	vnsel vm14, $0x0, v58  }
0x81: {  	v49 =	vld [tilespmem:$0xB0];
	v11 =	vnsel vm15, $0x0, v63;
	v0 =	vnsel vm4, $0x0, v0;
	v63 =	vadd.f32 $0.0e+00, v16  }
0x82: {  	v55 =	vld [tilespmem:$0x1FFB0];
	vm12 =	veq.s32 v15, $0x9;
	vm14 =	veq.s32 v20, $0x9;
	vm4 =	veq.s32 v28, $0xA  }
0x83: {  	[tilespmem:$0x120] =	vst v18;
	v58 =	vld [tilespmem:$0x1FFD0];
	v18 =	vnsel vm6, $0x0, v30;
	vm6 =	veq.s32 v19, $0xD;
	v44 =	vadd.f32 v61, v57  }
0x84: {  	v16 =	vld [tilespmem:$0x0];
	v45 =	vadd.f32 v11, v45;
	vm15 =	veq.s32 v23, $0x9;
	vm10 =	veq.s32 v59, $0x8  }
0x85: {  	v15 =	vld [tilespmem:$0xA0];
	[tilespmem:$0x190] =	vst v33;
	v7 =	vnsel vm12, $0x0, v63;
	v23 =	vnsel vm15, $0x0, v25;
	v25 =	vadd.f32 $0.0e+00, v24  }
0x86: {  	v33 =	vld [tilespmem:$0x10];
	[tilespmem:$0x1A0] =	vst v38;
	vm12 =	veq.s32 v51, $0xC;
	v38 =	vnsel vm13, $0x0, v8;
	vm8 =	veq.s32 v56, $0x8  }
0x87: {  	[tilespmem:$0x1B0] =	vst v39;
	v39 =	vld [tilespmem:$0xB0];
	v61 =	vnsel vm10, $0x0, v5;
	v7 =	vadd.f32 v9, v7;
	v59 =	vadd.f32 $0.0e+00, v42  }
0x88: {  	[tilespmem:$0x100] =	vst v4;
	v51 =	vld [tilespmem:$0x90];
	v11 =	vnsel vm5, $0x0, v54;
	v57 =	vnsel vm8, $0x0, v13;
	v4 =	vadd.f32 v62, v61  }
0x89: {  	[tilespmem:$0x110] =	vst v10;
	v5 =	vld [tilespmem:$0x80];
	v28 =	vnsel vm4, $0x0, v25;
	vm5 =	veq.s32 v29, $0xA;
	vm8 =	veq.s32 v40, $0xB  }
0x8a: {  	[tilespmem:$0x170] =	vst v27;
	v56 =	vld [tilespmem:$0x0];
	vm10 =	veq.s32 v46, $0xB;
	vm11 =	veq.s32 v47, $0xB;
	v2 =	vadd.f32 $0.0e+00, v2  }
0x8b: {  	[tilespmem:$0x1D0] =	vst v45;
	v45 =	vld [tilespmem:$0x20];
	v12 =	vnsel vm7, $0x0, v55;
	v0 =	vadd.f32 v11, v0;
	vm9 =	veq.s32 v58, $0x8  }
0x8c: {  	[tilespmem:$0x130] =	vst v17;
	v13 =	vld [tilespmem:$0x30];
	v52 =	vnsel vm5, $0x0, v31;
	vm7 =	veq.s32 v35, $0xA;
	v55 =	vadd.f32 $0.0e+00, v36  }
0x8d: {  	[tilespmem:$0x150] =	vst v22;
	v40 =	vld [tilespmem:$0x0];
	v24 =	vnsel vm10, $0x0, v59;
	v63 =	vnsel vm11, $0x0, v49;
	vm4 =	veq.s32 v16, $0xD  }
0x8e: {  	[tilespmem:$0x160] =	vst v26;
	v47 =	vld [tilespmem:$0xA0];
	vm5 =	veq.s32 v14, $0xD;
	v1 =	vadd.f32 v12, v1;
	v50 =	vnsel vm9, $0x0, v60  }
0x8f: {  	[tilespmem:$0x180] =	vst v32;
	v11 =	vld [tilespmem:$0x90];
	v12 =	vnsel vm14, $0x0, v21;
	v54 =	vnsel vm7, $0x0, v37;
	v17 =	vadd.f32 v52, v28  }
0x90: {  	[tilespmem:$0x1C0] =	vst v44;
	vm9 =	veq.s32 v41, $0xB;
	v60 =	vld [tilespmem:$0x20];
	v24 =	vadd.f32 v63, v24;
	v35 =	vnsel vm12, $0x0, v2  }
0x91: {  	[tilespmem:$0x220] =	vst v7;
	v37 =	vld [tilespmem:$0x30];
	vm14 =	veq.s32 v48, $0xC;
	v46 =	vnsel vm5, $0x0, v15;
	v10 =	vadd.f32 v50, v57  }
0x92: {  	[tilespmem:$0x210] =	vst v4;
	v9 =	vadd.f32 v23, v12;
	v12 =	vld [tilespmem:$0x90];
	v18 =	vadd.f32 v54, v18;
	v58 =	vnsel vm8, $0x0, v55  }
0x93: {  	v50 =	vld [tilespmem:$0x30];
	v61 =	vnsel vm9, $0x0, v43;
	[tilespmem:$0x1E0] =	vst v0;
	v0 =	vadd.f32 v38, v35;
	v59 =	vadd.f32 $0.0e+00, v51  }
0x94: {  	vm10 =	veq.s32 v33, $0xE;
	v57 =	vld [tilespmem:$0x80];
	v23 =	vadd.f32 v61, v58;
	[tilespmem:$0x1F0] =	vst v1;
	v5 =	vadd.f32 $0.0e+00, v5  }
0x95: {  	v62 =	vld [tilespmem:$0xA0];
	[tilespmem:$0x240] =	vst v17;
	vm8 =	veq.s32 v56, $0xE;
	vm13 =	veq.s32 v45, $0xF;
	vm15 =	veq.s32 v13, $0xC  }
0x96: {  	v53 =	vld [tilespmem:$0xB0];
	[tilespmem:$0x270] =	vst v24;
	vm12 =	veq.s32 v40, $0xF;
	v36 =	vadd.f32 $0.0e+00, v11;
	v43 =	vnsel vm4, $0x0, v5  }
0x97: {  	v42 =	vld [tilespmem:$0x80];
	[tilespmem:$0x200] =	vst v10;
	v6 =	vnsel vm15, $0x0, v6;
	v4 =	vadd.f32 v46, v43;
	vm9 =	veq.s32 v60, $0xE  }
0x98: {  	v54 =	vld [tilespmem:$0x30];
	[tilespmem:$0x230] =	vst v9;
	vm11 =	veq.s32 v37, $0xE;
	v60 =	vnsel vm13, $0x0, v47;
	v2 =	vnsel vm14, $0x0, v36  }
0x99: {  	[tilespmem:$0x250] =	vst v18;
	v44 =	vadd.f32 $0.0e+00, v12;
	vm7 =	veq.s32 v50, $0xD;
	v49 =	vadd.f32 $0.0e+00, v57;
	v50 =	vld [tilespmem:$0x10]  }
0x9a: {  	v56 =	vld [tilespmem:$0xB0];
	[tilespmem:$0x280] =	vst v0;
	v55 =	vnsel vm9, $0x0, v62;
	v8 =	vnsel vm11, $0x0, v39;
	v41 =	vadd.f32 v6, v2  }
0x9b: {  	[tilespmem:$0x260] =	vst v23;
	v48 =	vnsel vm7, $0x0, v53;
	v53 =	vadd.f32 $0.0e+00, v34;
	v5 =	vnsel vm6, $0x0, v44  }
0x9c: {  	v2 =	vadd.f32 $0.0e+00, v42;
	[tilespmem:$0x2A0] =	vst v4;
	v52 =	vnsel vm8, $0x0, v49;
	v5 =	vadd.f32 v48, v5  }
0x9d: {  	vm15 =	veq.s32 v54, $0xF;
	v57 =	vnsel vm10, $0x0, v53;
	[tilespmem:$0x290] =	vst v41;
	v58 =	vadd.f32 v55, v52  }
0x9e: {  	v2 =	vnsel vm12, $0x0, v2;
	v0 =	vadd.f32 v8, v57;
	[tilespmem:$0x2B0] =	vst v5;
	vm14 =	veq.s32 v50, $0xF  }
0x9f: {  	v62 =	vnsel vm15, $0x0, v56;
	v61 =	vadd.f32 v60, v2;
	[tilespmem:$0x2C0] =	vst v58;
	v4 =	vnsel vm14, $0x0, v59  }
0xa0: {  	[tilespmem:$0x2D0] =	vst v0;
	v63 =	vadd.f32 v62, v4  }
0xa1: {  	p0 =	sne.s32 s5, $0x1;
	[tilespmem:$0x2E0] =	vst v61  }
.Ltmp1:
0xa2: {  	[tilespmem:$0x2F0] =	vst v63;
	(pc) =	sbr.rel @p0 .LBB2_2-.Ltmp1, $4  }
0xa3: {  	[hbm4b:s2+s6] =	stream.linear.scatter [tilespmem:s9], [sflag:$0x1], $0x200, $0x38;
	[tilespmem:$0x300] =	vst v63  }
0xa4: {  	_ =	swait.ge [sflag:s7], $0x200  }
0xa5: {  	[sflag:s7] =	ssyncset.done $0x0  }
0xa6: {  	s5 =	sadd.s32 $0xFFFFFFFF, s5;
	[sflag:s7] =	ssyncadd.s32 $0xFFFFFE00  }
.LBB2_3:
0xa7: {  	_ =	sfence.sel $0x180000  }
0xa8: {  	[bflag:$0x0] =	sbarrier.arrive $0xFFFF  }
0xa9: {  	p0 =	sne.s32 s0, $0x0;
	_ =	strace $0x90000047  }
0xaa: {  	s0 =	sadd.s32 @!p0 $0x100000, s1;
	[bflag:$0x2] =	sbarrier.arrive $0xFFFF  }
0xab: {  	[sflag:s0] =	ssyncadd.tile.s32 @!p0 $0x1;
	_ =	shalt  }
.Lfunc_end2:
_tile_overlayer_lowered:
.L_overlay_start_2:
0xac: {  	(tag) =	ssettag $0x2  }
0xad: {  	s0 =	rddreg [dreg:$0x0];
	s2 =	stileid.u32  }
0xae: {  	s1 =	rddreg [dreg:$0x1];
	p0 =	sne.s32 s2, $0x0  }
0xaf: {  	s3 =	rddreg [dreg:$0x2];
	[bflag:$0x3] =	sbarrier.arrive $0xFFFF;
	s2 =	simm.s32 @!p0 $0x1C01  }
0xb0: {  	[timem:s3], [sflag:s2] =	dma.local @!p0 [hbm:s0], s1  }
0xb1: {  	s0 =	simm.s32 @!p0 $0x1  }
0xb2: {  	_ =	swait.ge @!p0 [sflag:s0], s1  }
0xb3: {  	s1 =	ssub.s32 @!p0 $0x0, s1;
	[sflag:s0] =	ssyncset.done @!p0 $0x0  }
0xb4: {  	[sflag:s0] =	ssyncadd.s32 @!p0 s1  }
0xb5: {  	[bflag:$0x3] =	sbarrier.arrive $0xFFFF  }
0xb6: {  	_ =	shalt  }

</sc_bundles>
